<compile_context>
chip_gen: v7x
topology: tpu7x:2x2x1
jax: 0.10.2.dev20260603
libtpu: 0.0.44.dev20260713+nightly
codegen_flags: <defaults>
</compile_context>

<pallas_src>
import functools

import jax
import jax.numpy as jnp
from jax import lax
from jax.experimental import pallas as pl
from jax.experimental.pallas import tpu as pltpu
from jax.experimental.pallas import tpu_sc as plsc

NUM_TOKENS = 8192
CODE_DIM = 256
BETA = 0.25

M = 8192
N = NUM_TOKENS
K = CODE_DIM

MB = 4096
NB = 8192
LANES = 128
NBJ = NB // LANES
BIG_I32 = 2 ** 30


NSUB = 512


def _argmin_body(zb_ref, wtb_ref, z2_ref, w2_ref, idx_ref, dsum_ref,
                 rminv_ref, rblk_ref):
    m = pl.program_id(0)
    n = pl.program_id(1)

    @pl.when(n == 0)
    def _():
        rminv_ref[...] = jnp.full((MB, LANES), jnp.inf, jnp.float32)
        rblk_ref[...] = jnp.zeros((MB, LANES), jnp.int32)

    zb = zb_ref[...]
    z2 = z2_ref[...]
    rv = rminv_ref[...]
    rb = rblk_ref[...]
    for s in range(NB // NSUB):
        dots = lax.dot_general(zb, wtb_ref[:, s * NSUB:(s + 1) * NSUB],
                               (((1,), (0,)), ((), ())),
                               preferred_element_type=jnp.float32)
        ds = (z2 + w2_ref[:, s * NSUB:(s + 1) * NSUB]) + dots
        for j in range(NSUB // LANES):
            ch = ds[:, j * LANES:(j + 1) * LANES]
            blk = n * NBJ + s * (NSUB // LANES) + j
            better = ch < rv
            rv = jnp.minimum(rv, ch)
            rb = jnp.where(better, blk, rb)
    rminv_ref[...] = rv
    rblk_ref[...] = rb

    @pl.when(n == pl.num_programs(1) - 1)
    def _():
        rv = rminv_ref[...]
        rb = rblk_ref[...]
        vmin = jnp.min(rv, axis=1, keepdims=True)
        lane = lax.broadcasted_iota(jnp.int32, (MB, LANES), 1)
        gidx = rb * LANES + lane
        cand = jnp.where(rv == vmin, gidx, BIG_I32)
        idx_ref[...] = jnp.min(cand, axis=1, keepdims=True)
        part = jnp.sum(vmin).reshape(1, 1)

        @pl.when(m == 0)
        def _():
            dsum_ref[...] = part

        @pl.when(m > 0)
        def _():
            dsum_ref[...] = dsum_ref[...] + part


_argmin_call = pl.pallas_call(
    _argmin_body,
    grid=(M // MB, N // NB),
    in_specs=[
        pl.BlockSpec((MB, K), lambda m, n: (m, 0)),
        pl.BlockSpec((K, NB), lambda m, n: (0, n)),
        pl.BlockSpec((MB, 1), lambda m, n: (m, 0)),
        pl.BlockSpec((1, NB), lambda m, n: (0, n)),
    ],
    out_specs=[
        pl.BlockSpec((MB, 1), lambda m, n: (m, 0)),
        pl.BlockSpec((1, 1), lambda m, n: (0, 0)),
    ],
    out_shape=[
        jax.ShapeDtypeStruct((M, 1), jnp.int32),
        jax.ShapeDtypeStruct((1, 1), jnp.float32),
    ],
    scratch_shapes=[
        pltpu.VMEM((MB, LANES), jnp.float32),
        pltpu.VMEM((MB, LANES), jnp.int32),
    ],
)


_NC = 2
_NS = 16
_NW = _NC * _NS
_BPW = M // _NW
_ICHUNK = 128


@functools.lru_cache(maxsize=1)
def _make_gather_rows():
    @functools.partial(
        pl.kernel,
        mesh=plsc.VectorSubcoreMesh(core_axis_name="c", subcore_axis_name="s"),
        out_type=jax.ShapeDtypeStruct((M, CODE_DIM), jnp.float32),
        scratch_types=[
            pltpu.VMEM((_BPW,), jnp.int32),
            pltpu.VMEM((_BPW, CODE_DIM), jnp.float32),
            pltpu.SemaphoreType.DMA,
        ],
    )
    def _gather_rows(table_hbm, idx_hbm, out_hbm, idx_v, rows_v, sem):
        wid = lax.axis_index("s") * _NC + lax.axis_index("c")
        base = wid * _BPW
        pltpu.sync_copy(idx_hbm.at[pl.ds(base, _BPW)], idx_v)
        copies = [
            pltpu.async_copy(
                table_hbm.at[idx_v.at[pl.ds(j * _ICHUNK, _ICHUNK)]],
                rows_v.at[pl.ds(j * _ICHUNK, _ICHUNK)],
                sem)
            for j in range(_BPW // _ICHUNK)
        ]
        for c in copies:
            c.wait()
        pltpu.sync_copy(rows_v, out_hbm.at[pl.ds(base, _BPW)])

    return _gather_rows


def kernel(z, weight):
    zt = jnp.transpose(z, (0, 2, 3, 1))
    z_flat = zt.reshape(-1, CODE_DIM)
    z2 = jnp.sum(z_flat ** 2, axis=1, keepdims=True)
    w2 = jnp.sum(weight ** 2, axis=1).reshape(1, N)
    zb = z_flat.astype(jnp.bfloat16)
    wtb = (-2.0 * weight).T.astype(jnp.bfloat16)

    idx2d, dsum = _argmin_call(zb, wtb, z2, w2)
    idx = idx2d.reshape(M)

    z_q_flat = _make_gather_rows()(weight, idx)
    z_q = z_q_flat.reshape(8, 32, 32, CODE_DIM)
    z_q_out = jnp.transpose(z_q, (0, 3, 1, 2))

    loss = dsum[0, 0] * (BETA / (M * CODE_DIM))
    return (z_q_out, loss)

# --- scband reference (transcript-rebuilt; emitter-appended) ---
"""Pipeline reference for scband-emaquantizer-54786602828224 (READ-ONLY COPY).

The authoritative reference and input builder live on the scoring server;
editing this copy changes nothing except your own understanding.
"""

import jax, jax.numpy as jnp
import numpy as np

NUM_TOKENS = 8192
CODE_DIM = 256
BETA = 0.25


def setup_inputs(seed: int = 0) -> dict:
    key = jax.random.key(seed)
    k1, k2 = jax.random.split(key)
    z = jax.random.normal(k1, (8, 256, 32, 32), dtype=jnp.float32)
    weight = jax.random.normal(k2, (NUM_TOKENS, CODE_DIM), dtype=jnp.float32)
    return {"z": z, "weight": weight}


def reference(z, weight):
    # b c h w -> b h w c
    zt = jnp.transpose(z, (0, 2, 3, 1))
    z_flat = zt.reshape(-1, CODE_DIM)
    # squared L2 distance to each codebook entry
    d = (jnp.sum(z_flat ** 2, axis=1, keepdims=True)
         + jnp.sum(weight ** 2, axis=1)
         - 2.0 * jnp.einsum('bd,nd->bn', z_flat, weight))
    encoding_indices = jnp.argmin(d, axis=1)
    z_q = jnp.take(weight, encoding_indices, axis=0).reshape(zt.shape)
    # eval mode: no EMA updates
    loss = BETA * jnp.mean((jax.lax.stop_gradient(z_q) - zt) ** 2)
    # straight-through estimator
    z_q_st = zt + jax.lax.stop_gradient(z_q - zt)
    # b h w c -> b c h w
    z_q_out = jnp.transpose(z_q_st, (0, 3, 1, 2))
    return (z_q_out, loss)

if __name__ == "__main__":
    import jax
    _d = setup_inputs()
    print(jax.jit(kernel)(*tuple(_d.values())))

</pallas_src>

<mosaic_0001>
#map = affine_map<(d0, d1) -> (0, 0)>
#map1 = affine_map<(d0, d1) -> (0)>
module attributes {stable_mosaic.version = 14 : i64} {
  func.func @_gather_rows(%arg0: i32, %arg1: i32, %arg2: memref<8192x256xf32, #tpu.memory_space<hbm>>, %arg3: memref<8192xi32, #tpu.memory_space<hbm>>, %arg4: memref<8192x256xf32, #tpu.memory_space<hbm>>, %arg5: memref<256xi32, #tpu.memory_space<vmem>>, %arg6: memref<256x256xf32, #tpu.memory_space<vmem>>, %arg7: memref<!tpu.dma_semaphore, #tpu.memory_space<semaphore_mem>>) attributes {dimension_semantics = [#tpu.dimension_semantics<core_parallel>, #tpu.dimension_semantics<subcore_parallel>], iteration_bounds = array<i64: 2, 16>, scalar_prefetch = 0 : i64, scratch_operands = 3 : i64, tpu.core_type = #tpu.core_type<sc_vector_subcore>, window_params = [{transform_indices = #map}, {transform_indices = #map1}, {transform_indices = #map}]} {
    %mul3A = arith.constant 2 : i32
    %mul3A_0 = arith.muli %arg1, %mul3A : i32
    %add3A = arith.addi %mul3A_0, %arg0 : i32
    %mul3A_1 = arith.constant 256 : i32
    %mul3A_2 = arith.muli %add3A, %mul3A_1 : i32
    "tpu.region"() ({
      %run_scoped3A = tpu.sem_alloc : memref<!tpu.dma_semaphore, #tpu.memory_space<semaphore_mem>>
      %dma_start3A_33 = tpu.memref_slice %arg3[%mul3A_2] : memref<8192xi32, #tpu.memory_space<hbm>> -> memref<256xi32, #tpu.memory_space<hbm>>
      %dma_start3A_34 = tpu.memref_slice %arg3[%mul3A_2] : memref<8192xi32, #tpu.memory_space<hbm>> -> memref<256xi32, #tpu.memory_space<hbm>>
      tpu.enqueue_dma source(%dma_start3A_34 : memref<256xi32, #tpu.memory_space<hbm>>) target(%arg5 : memref<256xi32, #tpu.memory_space<vmem>>) target_semaphore(%run_scoped3A : memref<!tpu.dma_semaphore, #tpu.memory_space<semaphore_mem>>)
      %dma_wait3A_35 = tpu.memref_slice %arg3[%mul3A_2] : memref<8192xi32, #tpu.memory_space<hbm>> -> memref<256xi32, #tpu.memory_space<hbm>>
      %dma_wait3A_36 = tpu.memref_slice %arg3[%mul3A_2] : memref<8192xi32, #tpu.memory_space<hbm>> -> memref<256xi32, #tpu.memory_space<hbm>>
      tpu.wait_dma2 semaphore(%run_scoped3A : memref<!tpu.dma_semaphore, #tpu.memory_space<semaphore_mem>>) src(%dma_wait3A_36 : memref<256xi32, #tpu.memory_space<hbm>>) dst(%arg5 : memref<256xi32, #tpu.memory_space<vmem>>)
      tpu.yield
    }) : () -> ()
    %dma_start3A = arith.constant 0 : i32
    %dma_start3A_3 = arith.constant 0 : i32
    %dma_start3A_4 = tpu.memref_slice %arg6[%dma_start3A, %dma_start3A_3] : memref<256x256xf32, #tpu.memory_space<vmem>> -> memref<128x256xf32, #tpu.memory_space<vmem>>
    %dma_start3A_5 = arith.constant 0 : i32
    %dma_start3A_6 = tpu.memref_slice %arg5[%dma_start3A_5] : memref<256xi32, #tpu.memory_space<vmem>> -> memref<128xi32, #tpu.memory_space<vmem>>
    %dma_start3A_7 = arith.constant 0 : i32
    %dma_start3A_8 = arith.constant 0 : i32
    %dma_start3A_9 = tpu.memref_slice %arg2[%dma_start3A_7, %dma_start3A_8] : memref<8192x256xf32, #tpu.memory_space<hbm>> -> memref<8192x256xf32, #tpu.memory_space<hbm>>
    tpu.enqueue_indirect_dma source(%dma_start3A_9 : memref<8192x256xf32, #tpu.memory_space<hbm>>) target(%dma_start3A_4 : memref<128x256xf32, #tpu.memory_space<vmem>>) offsets(%dma_start3A_6 : memref<128xi32, #tpu.memory_space<vmem>>) semaphore(%arg7 : memref<!tpu.dma_semaphore, #tpu.memory_space<semaphore_mem>>)
    %dma_start3A_10 = arith.constant 128 : i32
    %dma_start3A_11 = arith.constant 0 : i32
    %dma_start3A_12 = tpu.memref_slice %arg6[%dma_start3A_10, %dma_start3A_11] : memref<256x256xf32, #tpu.memory_space<vmem>> -> memref<128x256xf32, #tpu.memory_space<vmem>>
    %dma_start3A_13 = arith.constant 128 : i32
    %dma_start3A_14 = tpu.memref_slice %arg5[%dma_start3A_13] : memref<256xi32, #tpu.memory_space<vmem>> -> memref<128xi32, #tpu.memory_space<vmem>>
    %dma_start3A_15 = arith.constant 0 : i32
    %dma_start3A_16 = arith.constant 0 : i32
    %dma_start3A_17 = tpu.memref_slice %arg2[%dma_start3A_15, %dma_start3A_16] : memref<8192x256xf32, #tpu.memory_space<hbm>> -> memref<8192x256xf32, #tpu.memory_space<hbm>>
    tpu.enqueue_indirect_dma source(%dma_start3A_17 : memref<8192x256xf32, #tpu.memory_space<hbm>>) target(%dma_start3A_12 : memref<128x256xf32, #tpu.memory_space<vmem>>) offsets(%dma_start3A_14 : memref<128xi32, #tpu.memory_space<vmem>>) semaphore(%arg7 : memref<!tpu.dma_semaphore, #tpu.memory_space<semaphore_mem>>)
    %dma_wait3A = arith.constant 0 : i32
    %dma_wait3A_18 = arith.constant 0 : i32
    %dma_wait3A_19 = tpu.memref_slice %arg6[%dma_wait3A, %dma_wait3A_18] : memref<256x256xf32, #tpu.memory_space<vmem>> -> memref<128x256xf32, #tpu.memory_space<vmem>>
    %dma_wait3A_20 = arith.constant 0 : i32
    %dma_wait3A_21 = tpu.memref_slice %arg5[%dma_wait3A_20] : memref<256xi32, #tpu.memory_space<vmem>> -> memref<128xi32, #tpu.memory_space<vmem>>
    %dma_wait3A_22 = arith.constant 0 : i32
    %dma_wait3A_23 = arith.constant 0 : i32
    %dma_wait3A_24 = tpu.memref_slice %arg2[%dma_wait3A_22, %dma_wait3A_23] : memref<8192x256xf32, #tpu.memory_space<hbm>> -> memref<8192x256xf32, #tpu.memory_space<hbm>>
    tpu.wait_indirect_dma semaphore(%arg7 : memref<!tpu.dma_semaphore, #tpu.memory_space<semaphore_mem>>) src(%dma_wait3A_24 : memref<8192x256xf32, #tpu.memory_space<hbm>>) dst(%dma_wait3A_19 : memref<128x256xf32, #tpu.memory_space<vmem>>)
    %dma_wait3A_25 = arith.constant 128 : i32
    %dma_wait3A_26 = arith.constant 0 : i32
    %dma_wait3A_27 = tpu.memref_slice %arg6[%dma_wait3A_25, %dma_wait3A_26] : memref<256x256xf32, #tpu.memory_space<vmem>> -> memref<128x256xf32, #tpu.memory_space<vmem>>
    %dma_wait3A_28 = arith.constant 128 : i32
    %dma_wait3A_29 = tpu.memref_slice %arg5[%dma_wait3A_28] : memref<256xi32, #tpu.memory_space<vmem>> -> memref<128xi32, #tpu.memory_space<vmem>>
    %dma_wait3A_30 = arith.constant 0 : i32
    %dma_wait3A_31 = arith.constant 0 : i32
    %dma_wait3A_32 = tpu.memref_slice %arg2[%dma_wait3A_30, %dma_wait3A_31] : memref<8192x256xf32, #tpu.memory_space<hbm>> -> memref<8192x256xf32, #tpu.memory_space<hbm>>
    tpu.wait_indirect_dma semaphore(%arg7 : memref<!tpu.dma_semaphore, #tpu.memory_space<semaphore_mem>>) src(%dma_wait3A_32 : memref<8192x256xf32, #tpu.memory_space<hbm>>) dst(%dma_wait3A_27 : memref<128x256xf32, #tpu.memory_space<vmem>>)
    "tpu.region"() ({
      %run_scoped3A = tpu.sem_alloc : memref<!tpu.dma_semaphore, #tpu.memory_space<semaphore_mem>>
      %dma_start3A_33 = arith.constant 0 : i32
      %dma_start3A_34 = tpu.memref_slice %arg4[%mul3A_2, %dma_start3A_33] : memref<8192x256xf32, #tpu.memory_space<hbm>> -> memref<256x256xf32, #tpu.memory_space<hbm>>
      %dma_start3A_35 = arith.constant 0 : i32
      %dma_start3A_36 = tpu.memref_slice %arg4[%mul3A_2, %dma_start3A_35] : memref<8192x256xf32, #tpu.memory_space<hbm>> -> memref<256x256xf32, #tpu.memory_space<hbm>>
      tpu.enqueue_dma source(%arg6 : memref<256x256xf32, #tpu.memory_space<vmem>>) target(%dma_start3A_36 : memref<256x256xf32, #tpu.memory_space<hbm>>) target_semaphore(%run_scoped3A : memref<!tpu.dma_semaphore, #tpu.memory_space<semaphore_mem>>)
      %dma_wait3A_37 = arith.constant 0 : i32
      %dma_wait3A_38 = tpu.memref_slice %arg4[%mul3A_2, %dma_wait3A_37] : memref<8192x256xf32, #tpu.memory_space<hbm>> -> memref<256x256xf32, #tpu.memory_space<hbm>>
      %dma_wait3A_39 = arith.constant 0 : i32
      %dma_wait3A_40 = tpu.memref_slice %arg4[%mul3A_2, %dma_wait3A_39] : memref<8192x256xf32, #tpu.memory_space<hbm>> -> memref<256x256xf32, #tpu.memory_space<hbm>>
      tpu.wait_dma2 semaphore(%run_scoped3A : memref<!tpu.dma_semaphore, #tpu.memory_space<semaphore_mem>>) src(%arg6 : memref<256x256xf32, #tpu.memory_space<vmem>>) dst(%dma_wait3A_40 : memref<256x256xf32, #tpu.memory_space<hbm>>)
      tpu.yield
    }) : () -> ()
    return
  }
}

module attributes {stable_mosaic.version = 14 : i64} {
  func.func @_argmin_body(%arg0: i32, %arg1: i32, %arg2: memref<4096x256xbf16, #tpu.memory_space<vmem>>, %arg3: memref<256x8192xbf16, #tpu.memory_space<vmem>>, %arg4: memref<4096x1xf32, #tpu.memory_space<vmem>>, %arg5: memref<1x8192xf32, #tpu.memory_space<vmem>>, %arg6: memref<4096x1xi32, #tpu.memory_space<vmem>>, %arg7: memref<1x1xf32, #tpu.memory_space<vmem>>, %arg8: memref<4096x128xf32, #tpu.memory_space<vmem>>, %arg9: memref<4096x128xi32, #tpu.memory_space<vmem>>) attributes {dimension_semantics = [#tpu.dimension_semantics<arbitrary>, #tpu.dimension_semantics<arbitrary>], iteration_bounds = array<i64: 2, 1>, scalar_prefetch = 0 : i64, scratch_operands = 2 : i64, tpu.core_type = #tpu.core_type<tc>, window_params = [{transform_indices = @transform_0, window_bounds = array<i64: 4096, 256>}, {transform_indices = @transform_1, window_bounds = array<i64: 256, 8192>}, {transform_indices = @transform_2, window_bounds = array<i64: 4096, 1>}, {transform_indices = @transform_3, window_bounds = array<i64: 1, 8192>}, {transform_indices = @transform_4, window_bounds = array<i64: 4096, 1>}, {pipeline_mode = #tpu.pipeline_mode<synchronous>, transform_indices = @transform_5, window_bounds = array<i64: 1, 1>}]} {
    %eq3A = arith.constant 0 : i32
    %eq3A_0 = arith.cmpi eq, %arg1, %eq3A : i32
    %convert_element_type3A = arith.extui %eq3A_0 : i1 to i32
    %cond3A = arith.constant 0 : i32
    %cond3A_1 = arith.cmpi ne, %convert_element_type3A, %cond3A : i32
    scf.if %cond3A_1 {
      %broadcast_in_dim3A_911 = arith.constant 0x7F800000 : f32
      %broadcast_in_dim3A_912 = vector.broadcast %broadcast_in_dim3A_911 : f32 to vector<4096x128xf32>
      %swap3A_913 = arith.constant 0 : index
      %swap3A_914 = arith.constant 0 : index
      %swap3A_915 = vector.load %arg8[%swap3A_913, %swap3A_914] : memref<4096x128xf32, #tpu.memory_space<vmem>>, vector<4096x128xf32>
      tpu.vector_store %arg8[%swap3A_913, %swap3A_914], %broadcast_in_dim3A_912 {strides = array<i32>} : memref<4096x128xf32, #tpu.memory_space<vmem>>, vector<4096x128xf32>,
      %broadcast_in_dim3A_916 = arith.constant 0 : i32
      %broadcast_in_dim3A_917 = vector.broadcast %broadcast_in_dim3A_916 : i32 to vector<4096x128xi32>
      %swap3A_918 = arith.constant 0 : index
      %swap3A_919 = arith.constant 0 : index
      %swap3A_920 = vector.load %arg9[%swap3A_918, %swap3A_919] : memref<4096x128xi32, #tpu.memory_space<vmem>>, vector<4096x128xi32>
      tpu.vector_store %arg9[%swap3A_918, %swap3A_919], %broadcast_in_dim3A_917 {strides = array<i32>} : memref<4096x128xi32, #tpu.memory_space<vmem>>, vector<4096x128xi32>,
    } else {
    }
    %get3A = arith.constant 0 : index
    %get3A_2 = arith.constant 0 : index
    %get3A_3 = vector.load %arg2[%get3A, %get3A_2] : memref<4096x256xbf16, #tpu.memory_space<vmem>>, vector<4096x256xbf16>
    %get3A_4 = arith.constant 0 : index
    %get3A_5 = arith.constant 0 : index
    %get3A_6 = vector.load %arg4[%get3A_4, %get3A_5] : memref<4096x1xf32, #tpu.memory_space<vmem>>, vector<4096x1xf32>
    %get3A_7 = arith.constant 0 : index
    %get3A_8 = arith.constant 0 : index
    %get3A_9 = vector.load %arg8[%get3A_7, %get3A_8] : memref<4096x128xf32, #tpu.memory_space<vmem>>, vector<4096x128xf32>
    %get3A_10 = arith.constant 0 : index
    %get3A_11 = arith.constant 0 : index
    %get3A_12 = vector.load %arg9[%get3A_10, %get3A_11] : memref<4096x128xi32, #tpu.memory_space<vmem>>, vector<4096x128xi32>
    %get3A_13 = arith.constant 0 : index
    %get3A_14 = arith.constant 0 : index
    %get3A_15 = vector.load %arg3[%get3A_13, %get3A_14] : memref<256x8192xbf16, #tpu.memory_space<vmem>>, vector<256x512xbf16>
    %dot_general3A = arith.constant dense<0.000000e+00> : vector<4096x512xf32>
    %dot_general3A_16 = tpu.matmul %get3A_3, %get3A_15, %dot_general3A {dimension_numbers = #tpu.dot_dimension_numbers<[1], [0], [0], [1], [0, 0, 1, 1], [], []>, transpose_lhs_hint = false} : vector<4096x256xbf16>, vector<256x512xbf16>, vector<4096x512xf32> -> vector<4096x512xf32>
    %get3A_17 = arith.constant 0 : index
    %get3A_18 = arith.constant 0 : index
    %get3A_19 = vector.load %arg5[%get3A_17, %get3A_18] : memref<1x8192xf32, #tpu.memory_space<vmem>>, vector<1x512xf32>
    %add3A = vector.broadcast %get3A_6 : vector<4096x1xf32> to vector<4096x512xf32>
    %add3A_20 = vector.broadcast %get3A_19 : vector<1x512xf32> to vector<4096x512xf32>
    %add3A_21 = arith.addf %add3A, %add3A_20 : vector<4096x512xf32>
    %add3A_22 = arith.addf %add3A_21, %dot_general3A_16 : vector<4096x512xf32>
    %slice3A = vector.extract_strided_slice %add3A_22 {offsets = [0, 0], sizes = [4096, 128], strides = [1, 1]} : vector<4096x512xf32> to vector<4096x128xf32>
    %mul3A = arith.constant 64 : i32
    %mul3A_23 = arith.muli %arg1, %mul3A : i32
    %add3A_24 = arith.constant 0 : i32
    %add3A_25 = arith.addi %mul3A_23, %add3A_24 : i32
    %add3A_26 = arith.constant 0 : i32
    %add3A_27 = arith.addi %add3A_25, %add3A_26 : i32
    %lt3A = arith.cmpf olt, %slice3A, %get3A_9 : vector<4096x128xf32>
    %min3A = arith.minimumf %get3A_9, %slice3A : vector<4096x128xf32>
    %broadcast_in_dim3A = vector.broadcast %add3A_27 : i32 to vector<4096x128xi32>
    %select_n3A = arith.select %lt3A, %broadcast_in_dim3A, %get3A_12 : vector<4096x128xi1>, vector<4096x128xi32>
    %slice3A_28 = vector.extract_strided_slice %add3A_22 {offsets = [0, 128], sizes = [4096, 128], strides = [1, 1]} : vector<4096x512xf32> to vector<4096x128xf32>
    %mul3A_29 = arith.constant 64 : i32
    %mul3A_30 = arith.muli %arg1, %mul3A_29 : i32
    %add3A_31 = arith.constant 0 : i32
    %add3A_32 = arith.addi %mul3A_30, %add3A_31 : i32
    %add3A_33 = arith.constant 1 : i32
    %add3A_34 = arith.addi %add3A_32, %add3A_33 : i32
    %lt3A_35 = arith.cmpf olt, %slice3A_28, %min3A : vector<4096x128xf32>
    %min3A_36 = arith.minimumf %min3A, %slice3A_28 : vector<4096x128xf32>
    %broadcast_in_dim3A_37 = vector.broadcast %add3A_34 : i32 to vector<4096x128xi32>
    %select_n3A_38 = arith.select %lt3A_35, %broadcast_in_dim3A_37, %select_n3A : vector<4096x128xi1>, vector<4096x128xi32>
    %slice3A_39 = vector.extract_strided_slice %add3A_22 {offsets = [0, 256], sizes = [4096, 128], strides = [1, 1]} : vector<4096x512xf32> to vector<4096x128xf32>
    %mul3A_40 = arith.constant 64 : i32
    %mul3A_41 = arith.muli %arg1, %mul3A_40 : i32
    %add3A_42 = arith.constant 0 : i32
    %add3A_43 = arith.addi %mul3A_41, %add3A_42 : i32
    %add3A_44 = arith.constant 2 : i32
    %add3A_45 = arith.addi %add3A_43, %add3A_44 : i32
    %lt3A_46 = arith.cmpf olt, %slice3A_39, %min3A_36 : vector<4096x128xf32>
    %min3A_47 = arith.minimumf %min3A_36, %slice3A_39 : vector<4096x128xf32>
    %broadcast_in_dim3A_48 = vector.broadcast %add3A_45 : i32 to vector<4096x128xi32>
    %select_n3A_49 = arith.select %lt3A_46, %broadcast_in_dim3A_48, %select_n3A_38 : vector<4096x128xi1>, vector<4096x128xi32>
    %slice3A_50 = vector.extract_strided_slice %add3A_22 {offsets = [0, 384], sizes = [4096, 128], strides = [1, 1]} : vector<4096x512xf32> to vector<4096x128xf32>
    %mul3A_51 = arith.constant 64 : i32
    %mul3A_52 = arith.muli %arg1, %mul3A_51 : i32
    %add3A_53 = arith.constant 0 : i32
    %add3A_54 = arith.addi %mul3A_52, %add3A_53 : i32
    %add3A_55 = arith.constant 3 : i32
    %add3A_56 = arith.addi %add3A_54, %add3A_55 : i32
    %lt3A_57 = arith.cmpf olt, %slice3A_50, %min3A_47 : vector<4096x128xf32>
    %min3A_58 = arith.minimumf %min3A_47, %slice3A_50 : vector<4096x128xf32>
    %broadcast_in_dim3A_59 = vector.broadcast %add3A_56 : i32 to vector<4096x128xi32>
    %select_n3A_60 = arith.select %lt3A_57, %broadcast_in_dim3A_59, %select_n3A_49 : vector<4096x128xi1>, vector<4096x128xi32>
    %get3A_61 = arith.constant 0 : index
    %get3A_62 = arith.constant 512 : index
    %get3A_63 = vector.load %arg3[%get3A_61, %get3A_62] : memref<256x8192xbf16, #tpu.memory_space<vmem>>, vector<256x512xbf16>
    %dot_general3A_64 = arith.constant dense<0.000000e+00> : vector<4096x512xf32>
    %dot_general3A_65 = tpu.matmul %get3A_3, %get3A_63, %dot_general3A_64 {dimension_numbers = #tpu.dot_dimension_numbers<[1], [0], [0], [1], [0, 0, 1, 1], [], []>, transpose_lhs_hint = false} : vector<4096x256xbf16>, vector<256x512xbf16>, vector<4096x512xf32> -> vector<4096x512xf32>
    %get3A_66 = arith.constant 0 : index
    %get3A_67 = arith.constant 512 : index
    %get3A_68 = vector.load %arg5[%get3A_66, %get3A_67] : memref<1x8192xf32, #tpu.memory_space<vmem>>, vector<1x512xf32>
    %add3A_69 = vector.broadcast %get3A_6 : vector<4096x1xf32> to vector<4096x512xf32>
    %add3A_70 = vector.broadcast %get3A_68 : vector<1x512xf32> to vector<4096x512xf32>
    %add3A_71 = arith.addf %add3A_69, %add3A_70 : vector<4096x512xf32>
    %add3A_72 = arith.addf %add3A_71, %dot_general3A_65 : vector<4096x512xf32>
    %slice3A_73 = vector.extract_strided_slice %add3A_72 {offsets = [0, 0], sizes = [4096, 128], strides = [1, 1]} : vector<4096x512xf32> to vector<4096x128xf32>
    %mul3A_74 = arith.constant 64 : i32
    %mul3A_75 = arith.muli %arg1, %mul3A_74 : i32
    %add3A_76 = arith.constant 4 : i32
    %add3A_77 = arith.addi %mul3A_75, %add3A_76 : i32
    %add3A_78 = arith.constant 0 : i32
    %add3A_79 = arith.addi %add3A_77, %add3A_78 : i32
    %lt3A_80 = arith.cmpf olt, %slice3A_73, %min3A_58 : vector<4096x128xf32>
    %min3A_81 = arith.minimumf %min3A_58, %slice3A_73 : vector<4096x128xf32>
    %broadcast_in_dim3A_82 = vector.broadcast %add3A_79 : i32 to vector<4096x128xi32>
    %select_n3A_83 = arith.select %lt3A_80, %broadcast_in_dim3A_82, %select_n3A_60 : vector<4096x128xi1>, vector<4096x128xi32>
    %slice3A_84 = vector.extract_strided_slice %add3A_72 {offsets = [0, 128], sizes = [4096, 128], strides = [1, 1]} : vector<4096x512xf32> to vector<4096x128xf32>
    %mul3A_85 = arith.constant 64 : i32
    %mul3A_86 = arith.muli %arg1, %mul3A_85 : i32
    %add3A_87 = arith.constant 4 : i32
    %add3A_88 = arith.addi %mul3A_86, %add3A_87 : i32
    %add3A_89 = arith.constant 1 : i32
    %add3A_90 = arith.addi %add3A_88, %add3A_89 : i32
    %lt3A_91 = arith.cmpf olt, %slice3A_84, %min3A_81 : vector<4096x128xf32>
    %min3A_92 = arith.minimumf %min3A_81, %slice3A_84 : vector<4096x128xf32>
    %broadcast_in_dim3A_93 = vector.broadcast %add3A_90 : i32 to vector<4096x128xi32>
    %select_n3A_94 = arith.select %lt3A_91, %broadcast_in_dim3A_93, %select_n3A_83 : vector<4096x128xi1>, vector<4096x128xi32>
    %slice3A_95 = vector.extract_strided_slice %add3A_72 {offsets = [0, 256], sizes = [4096, 128], strides = [1, 1]} : vector<4096x512xf32> to vector<4096x128xf32>
    %mul3A_96 = arith.constant 64 : i32
    %mul3A_97 = arith.muli %arg1, %mul3A_96 : i32
    %add3A_98 = arith.constant 4 : i32
    %add3A_99 = arith.addi %mul3A_97, %add3A_98 : i32
    %add3A_100 = arith.constant 2 : i32
    %add3A_101 = arith.addi %add3A_99, %add3A_100 : i32
    %lt3A_102 = arith.cmpf olt, %slice3A_95, %min3A_92 : vector<4096x128xf32>
    %min3A_103 = arith.minimumf %min3A_92, %slice3A_95 : vector<4096x128xf32>
    %broadcast_in_dim3A_104 = vector.broadcast %add3A_101 : i32 to vector<4096x128xi32>
    %select_n3A_105 = arith.select %lt3A_102, %broadcast_in_dim3A_104, %select_n3A_94 : vector<4096x128xi1>, vector<4096x128xi32>
    %slice3A_106 = vector.extract_strided_slice %add3A_72 {offsets = [0, 384], sizes = [4096, 128], strides = [1, 1]} : vector<4096x512xf32> to vector<4096x128xf32>
    %mul3A_107 = arith.constant 64 : i32
    %mul3A_108 = arith.muli %arg1, %mul3A_107 : i32
    %add3A_109 = arith.constant 4 : i32
    %add3A_110 = arith.addi %mul3A_108, %add3A_109 : i32
    %add3A_111 = arith.constant 3 : i32
    %add3A_112 = arith.addi %add3A_110, %add3A_111 : i32
    %lt3A_113 = arith.cmpf olt, %slice3A_106, %min3A_103 : vector<4096x128xf32>
    %min3A_114 = arith.minimumf %min3A_103, %slice3A_106 : vector<4096x128xf32>
    %broadcast_in_dim3A_115 = vector.broadcast %add3A_112 : i32 to vector<4096x128xi32>
    %select_n3A_116 = arith.select %lt3A_113, %broadcast_in_dim3A_115, %select_n3A_105 : vector<4096x128xi1>, vector<4096x128xi32>
    %get3A_117 = arith.constant 0 : index
    %get3A_118 = arith.constant 1024 : index
    %get3A_119 = vector.load %arg3[%get3A_117, %get3A_118] : memref<256x8192xbf16, #tpu.memory_space<vmem>>, vector<256x512xbf16>
    %dot_general3A_120 = arith.constant dense<0.000000e+00> : vector<4096x512xf32>
    %dot_general3A_121 = tpu.matmul %get3A_3, %get3A_119, %dot_general3A_120 {dimension_numbers = #tpu.dot_dimension_numbers<[1], [0], [0], [1], [0, 0, 1, 1], [], []>, transpose_lhs_hint = false} : vector<4096x256xbf16>, vector<256x512xbf16>, vector<4096x512xf32> -> vector<4096x512xf32>
    %get3A_122 = arith.constant 0 : index
    %get3A_123 = arith.constant 1024 : index
    %get3A_124 = vector.load %arg5[%get3A_122, %get3A_123] : memref<1x8192xf32, #tpu.memory_space<vmem>>, vector<1x512xf32>
    %add3A_125 = vector.broadcast %get3A_6 : vector<4096x1xf32> to vector<4096x512xf32>
    %add3A_126 = vector.broadcast %get3A_124 : vector<1x512xf32> to vector<4096x512xf32>
    %add3A_127 = arith.addf %add3A_125, %add3A_126 : vector<4096x512xf32>
    %add3A_128 = arith.addf %add3A_127, %dot_general3A_121 : vector<4096x512xf32>
    %slice3A_129 = vector.extract_strided_slice %add3A_128 {offsets = [0, 0], sizes = [4096, 128], strides = [1, 1]} : vector<4096x512xf32> to vector<4096x128xf32>
    %mul3A_130 = arith.constant 64 : i32
    %mul3A_131 = arith.muli %arg1, %mul3A_130 : i32
    %add3A_132 = arith.constant 8 : i32
    %add3A_133 = arith.addi %mul3A_131, %add3A_132 : i32
    %add3A_134 = arith.constant 0 : i32
    %add3A_135 = arith.addi %add3A_133, %add3A_134 : i32
    %lt3A_136 = arith.cmpf olt, %slice3A_129, %min3A_114 : vector<4096x128xf32>
    %min3A_137 = arith.minimumf %min3A_114, %slice3A_129 : vector<4096x128xf32>
    %broadcast_in_dim3A_138 = vector.broadcast %add3A_135 : i32 to vector<4096x128xi32>
    %select_n3A_139 = arith.select %lt3A_136, %broadcast_in_dim3A_138, %select_n3A_116 : vector<4096x128xi1>, vector<4096x128xi32>
    %slice3A_140 = vector.extract_strided_slice %add3A_128 {offsets = [0, 128], sizes = [4096, 128], strides = [1, 1]} : vector<4096x512xf32> to vector<4096x128xf32>
    %mul3A_141 = arith.constant 64 : i32
    %mul3A_142 = arith.muli %arg1, %mul3A_141 : i32
    %add3A_143 = arith.constant 8 : i32
    %add3A_144 = arith.addi %mul3A_142, %add3A_143 : i32
    %add3A_145 = arith.constant 1 : i32
    %add3A_146 = arith.addi %add3A_144, %add3A_145 : i32
    %lt3A_147 = arith.cmpf olt, %slice3A_140, %min3A_137 : vector<4096x128xf32>
    %min3A_148 = arith.minimumf %min3A_137, %slice3A_140 : vector<4096x128xf32>
    %broadcast_in_dim3A_149 = vector.broadcast %add3A_146 : i32 to vector<4096x128xi32>
    %select_n3A_150 = arith.select %lt3A_147, %broadcast_in_dim3A_149, %select_n3A_139 : vector<4096x128xi1>, vector<4096x128xi32>
    %slice3A_151 = vector.extract_strided_slice %add3A_128 {offsets = [0, 256], sizes = [4096, 128], strides = [1, 1]} : vector<4096x512xf32> to vector<4096x128xf32>
    %mul3A_152 = arith.constant 64 : i32
    %mul3A_153 = arith.muli %arg1, %mul3A_152 : i32
    %add3A_154 = arith.constant 8 : i32
    %add3A_155 = arith.addi %mul3A_153, %add3A_154 : i32
    %add3A_156 = arith.constant 2 : i32
    %add3A_157 = arith.addi %add3A_155, %add3A_156 : i32
    %lt3A_158 = arith.cmpf olt, %slice3A_151, %min3A_148 : vector<4096x128xf32>
    %min3A_159 = arith.minimumf %min3A_148, %slice3A_151 : vector<4096x128xf32>
    %broadcast_in_dim3A_160 = vector.broadcast %add3A_157 : i32 to vector<4096x128xi32>
    %select_n3A_161 = arith.select %lt3A_158, %broadcast_in_dim3A_160, %select_n3A_150 : vector<4096x128xi1>, vector<4096x128xi32>
    %slice3A_162 = vector.extract_strided_slice %add3A_128 {offsets = [0, 384], sizes = [4096, 128], strides = [1, 1]} : vector<4096x512xf32> to vector<4096x128xf32>
    %mul3A_163 = arith.constant 64 : i32
    %mul3A_164 = arith.muli %arg1, %mul3A_163 : i32
    %add3A_165 = arith.constant 8 : i32
    %add3A_166 = arith.addi %mul3A_164, %add3A_165 : i32
    %add3A_167 = arith.constant 3 : i32
    %add3A_168 = arith.addi %add3A_166, %add3A_167 : i32
    %lt3A_169 = arith.cmpf olt, %slice3A_162, %min3A_159 : vector<4096x128xf32>
    %min3A_170 = arith.minimumf %min3A_159, %slice3A_162 : vector<4096x128xf32>
    %broadcast_in_dim3A_171 = vector.broadcast %add3A_168 : i32 to vector<4096x128xi32>
    %select_n3A_172 = arith.select %lt3A_169, %broadcast_in_dim3A_171, %select_n3A_161 : vector<4096x128xi1>, vector<4096x128xi32>
    %get3A_173 = arith.constant 0 : index
    %get3A_174 = arith.constant 1536 : index
    %get3A_175 = vector.load %arg3[%get3A_173, %get3A_174] : memref<256x8192xbf16, #tpu.memory_space<vmem>>, vector<256x512xbf16>
    %dot_general3A_176 = arith.constant dense<0.000000e+00> : vector<4096x512xf32>
    %dot_general3A_177 = tpu.matmul %get3A_3, %get3A_175, %dot_general3A_176 {dimension_numbers = #tpu.dot_dimension_numbers<[1], [0], [0], [1], [0, 0, 1, 1], [], []>, transpose_lhs_hint = false} : vector<4096x256xbf16>, vector<256x512xbf16>, vector<4096x512xf32> -> vector<4096x512xf32>
    %get3A_178 = arith.constant 0 : index
    %get3A_179 = arith.constant 1536 : index
    %get3A_180 = vector.load %arg5[%get3A_178, %get3A_179] : memref<1x8192xf32, #tpu.memory_space<vmem>>, vector<1x512xf32>
    %add3A_181 = vector.broadcast %get3A_6 : vector<4096x1xf32> to vector<4096x512xf32>
    %add3A_182 = vector.broadcast %get3A_180 : vector<1x512xf32> to vector<4096x512xf32>
    %add3A_183 = arith.addf %add3A_181, %add3A_182 : vector<4096x512xf32>
    %add3A_184 = arith.addf %add3A_183, %dot_general3A_177 : vector<4096x512xf32>
    %slice3A_185 = vector.extract_strided_slice %add3A_184 {offsets = [0, 0], sizes = [4096, 128], strides = [1, 1]} : vector<4096x512xf32> to vector<4096x128xf32>
    %mul3A_186 = arith.constant 64 : i32
    %mul3A_187 = arith.muli %arg1, %mul3A_186 : i32
    %add3A_188 = arith.constant 12 : i32
    %add3A_189 = arith.addi %mul3A_187, %add3A_188 : i32
    %add3A_190 = arith.constant 0 : i32
    %add3A_191 = arith.addi %add3A_189, %add3A_190 : i32
    %lt3A_192 = arith.cmpf olt, %slice3A_185, %min3A_170 : vector<4096x128xf32>
    %min3A_193 = arith.minimumf %min3A_170, %slice3A_185 : vector<4096x128xf32>
    %broadcast_in_dim3A_194 = vector.broadcast %add3A_191 : i32 to vector<4096x128xi32>
    %select_n3A_195 = arith.select %lt3A_192, %broadcast_in_dim3A_194, %select_n3A_172 : vector<4096x128xi1>, vector<4096x128xi32>
    %slice3A_196 = vector.extract_strided_slice %add3A_184 {offsets = [0, 128], sizes = [4096, 128], strides = [1, 1]} : vector<4096x512xf32> to vector<4096x128xf32>
    %mul3A_197 = arith.constant 64 : i32
    %mul3A_198 = arith.muli %arg1, %mul3A_197 : i32
    %add3A_199 = arith.constant 12 : i32
    %add3A_200 = arith.addi %mul3A_198, %add3A_199 : i32
    %add3A_201 = arith.constant 1 : i32
    %add3A_202 = arith.addi %add3A_200, %add3A_201 : i32
    %lt3A_203 = arith.cmpf olt, %slice3A_196, %min3A_193 : vector<4096x128xf32>
    %min3A_204 = arith.minimumf %min3A_193, %slice3A_196 : vector<4096x128xf32>
    %broadcast_in_dim3A_205 = vector.broadcast %add3A_202 : i32 to vector<4096x128xi32>
    %select_n3A_206 = arith.select %lt3A_203, %broadcast_in_dim3A_205, %select_n3A_195 : vector<4096x128xi1>, vector<4096x128xi32>
    %slice3A_207 = vector.extract_strided_slice %add3A_184 {offsets = [0, 256], sizes = [4096, 128], strides = [1, 1]} : vector<4096x512xf32> to vector<4096x128xf32>
    %mul3A_208 = arith.constant 64 : i32
    %mul3A_209 = arith.muli %arg1, %mul3A_208 : i32
    %add3A_210 = arith.constant 12 : i32
    %add3A_211 = arith.addi %mul3A_209, %add3A_210 : i32
    %add3A_212 = arith.constant 2 : i32
    %add3A_213 = arith.addi %add3A_211, %add3A_212 : i32
    %lt3A_214 = arith.cmpf olt, %slice3A_207, %min3A_204 : vector<4096x128xf32>
    %min3A_215 = arith.minimumf %min3A_204, %slice3A_207 : vector<4096x128xf32>
    %broadcast_in_dim3A_216 = vector.broadcast %add3A_213 : i32 to vector<4096x128xi32>
    %select_n3A_217 = arith.select %lt3A_214, %broadcast_in_dim3A_216, %select_n3A_206 : vector<4096x128xi1>, vector<4096x128xi32>
    %slice3A_218 = vector.extract_strided_slice %add3A_184 {offsets = [0, 384], sizes = [4096, 128], strides = [1, 1]} : vector<4096x512xf32> to vector<4096x128xf32>
    %mul3A_219 = arith.constant 64 : i32
    %mul3A_220 = arith.muli %arg1, %mul3A_219 : i32
    %add3A_221 = arith.constant 12 : i32
    %add3A_222 = arith.addi %mul3A_220, %add3A_221 : i32
    %add3A_223 = arith.constant 3 : i32
    %add3A_224 = arith.addi %add3A_222, %add3A_223 : i32
    %lt3A_225 = arith.cmpf olt, %slice3A_218, %min3A_215 : vector<4096x128xf32>
    %min3A_226 = arith.minimumf %min3A_215, %slice3A_218 : vector<4096x128xf32>
    %broadcast_in_dim3A_227 = vector.broadcast %add3A_224 : i32 to vector<4096x128xi32>
    %select_n3A_228 = arith.select %lt3A_225, %broadcast_in_dim3A_227, %select_n3A_217 : vector<4096x128xi1>, vector<4096x128xi32>
    %get3A_229 = arith.constant 0 : index
    %get3A_230 = arith.constant 2048 : index
    %get3A_231 = vector.load %arg3[%get3A_229, %get3A_230] : memref<256x8192xbf16, #tpu.memory_space<vmem>>, vector<256x512xbf16>
    %dot_general3A_232 = arith.constant dense<0.000000e+00> : vector<4096x512xf32>
    %dot_general3A_233 = tpu.matmul %get3A_3, %get3A_231, %dot_general3A_232 {dimension_numbers = #tpu.dot_dimension_numbers<[1], [0], [0], [1], [0, 0, 1, 1], [], []>, transpose_lhs_hint = false} : vector<4096x256xbf16>, vector<256x512xbf16>, vector<4096x512xf32> -> vector<4096x512xf32>
    %get3A_234 = arith.constant 0 : index
    %get3A_235 = arith.constant 2048 : index
    %get3A_236 = vector.load %arg5[%get3A_234, %get3A_235] : memref<1x8192xf32, #tpu.memory_space<vmem>>, vector<1x512xf32>
    %add3A_237 = vector.broadcast %get3A_6 : vector<4096x1xf32> to vector<4096x512xf32>
    %add3A_238 = vector.broadcast %get3A_236 : vector<1x512xf32> to vector<4096x512xf32>
    %add3A_239 = arith.addf %add3A_237, %add3A_238 : vector<4096x512xf32>
    %add3A_240 = arith.addf %add3A_239, %dot_general3A_233 : vector<4096x512xf32>
    %slice3A_241 = vector.extract_strided_slice %add3A_240 {offsets = [0, 0], sizes = [4096, 128], strides = [1, 1]} : vector<4096x512xf32> to vector<4096x128xf32>
    %mul3A_242 = arith.constant 64 : i32
    %mul3A_243 = arith.muli %arg1, %mul3A_242 : i32
    %add3A_244 = arith.constant 16 : i32
    %add3A_245 = arith.addi %mul3A_243, %add3A_244 : i32
    %add3A_246 = arith.constant 0 : i32
    %add3A_247 = arith.addi %add3A_245, %add3A_246 : i32
    %lt3A_248 = arith.cmpf olt, %slice3A_241, %min3A_226 : vector<4096x128xf32>
    %min3A_249 = arith.minimumf %min3A_226, %slice3A_241 : vector<4096x128xf32>
    %broadcast_in_dim3A_250 = vector.broadcast %add3A_247 : i32 to vector<4096x128xi32>
    %select_n3A_251 = arith.select %lt3A_248, %broadcast_in_dim3A_250, %select_n3A_228 : vector<4096x128xi1>, vector<4096x128xi32>
    %slice3A_252 = vector.extract_strided_slice %add3A_240 {offsets = [0, 128], sizes = [4096, 128], strides = [1, 1]} : vector<4096x512xf32> to vector<4096x128xf32>
    %mul3A_253 = arith.constant 64 : i32
    %mul3A_254 = arith.muli %arg1, %mul3A_253 : i32
    %add3A_255 = arith.constant 16 : i32
    %add3A_256 = arith.addi %mul3A_254, %add3A_255 : i32
    %add3A_257 = arith.constant 1 : i32
    %add3A_258 = arith.addi %add3A_256, %add3A_257 : i32
    %lt3A_259 = arith.cmpf olt, %slice3A_252, %min3A_249 : vector<4096x128xf32>
    %min3A_260 = arith.minimumf %min3A_249, %slice3A_252 : vector<4096x128xf32>
    %broadcast_in_dim3A_261 = vector.broadcast %add3A_258 : i32 to vector<4096x128xi32>
    %select_n3A_262 = arith.select %lt3A_259, %broadcast_in_dim3A_261, %select_n3A_251 : vector<4096x128xi1>, vector<4096x128xi32>
    %slice3A_263 = vector.extract_strided_slice %add3A_240 {offsets = [0, 256], sizes = [4096, 128], strides = [1, 1]} : vector<4096x512xf32> to vector<4096x128xf32>
    %mul3A_264 = arith.constant 64 : i32
    %mul3A_265 = arith.muli %arg1, %mul3A_264 : i32
    %add3A_266 = arith.constant 16 : i32
    %add3A_267 = arith.addi %mul3A_265, %add3A_266 : i32
    %add3A_268 = arith.constant 2 : i32
    %add3A_269 = arith.addi %add3A_267, %add3A_268 : i32
    %lt3A_270 = arith.cmpf olt, %slice3A_263, %min3A_260 : vector<4096x128xf32>
    %min3A_271 = arith.minimumf %min3A_260, %slice3A_263 : vector<4096x128xf32>
    %broadcast_in_dim3A_272 = vector.broadcast %add3A_269 : i32 to vector<4096x128xi32>
    %select_n3A_273 = arith.select %lt3A_270, %broadcast_in_dim3A_272, %select_n3A_262 : vector<4096x128xi1>, vector<4096x128xi32>
    %slice3A_274 = vector.extract_strided_slice %add3A_240 {offsets = [0, 384], sizes = [4096, 128], strides = [1, 1]} : vector<4096x512xf32> to vector<4096x128xf32>
    %mul3A_275 = arith.constant 64 : i32
    %mul3A_276 = arith.muli %arg1, %mul3A_275 : i32
    %add3A_277 = arith.constant 16 : i32
    %add3A_278 = arith.addi %mul3A_276, %add3A_277 : i32
    %add3A_279 = arith.constant 3 : i32
    %add3A_280 = arith.addi %add3A_278, %add3A_279 : i32
    %lt3A_281 = arith.cmpf olt, %slice3A_274, %min3A_271 : vector<4096x128xf32>
    %min3A_282 = arith.minimumf %min3A_271, %slice3A_274 : vector<4096x128xf32>
    %broadcast_in_dim3A_283 = vector.broadcast %add3A_280 : i32 to vector<4096x128xi32>
    %select_n3A_284 = arith.select %lt3A_281, %broadcast_in_dim3A_283, %select_n3A_273 : vector<4096x128xi1>, vector<4096x128xi32>
    %get3A_285 = arith.constant 0 : index
    %get3A_286 = arith.constant 2560 : index
    %get3A_287 = vector.load %arg3[%get3A_285, %get3A_286] : memref<256x8192xbf16, #tpu.memory_space<vmem>>, vector<256x512xbf16>
    %dot_general3A_288 = arith.constant dense<0.000000e+00> : vector<4096x512xf32>
    %dot_general3A_289 = tpu.matmul %get3A_3, %get3A_287, %dot_general3A_288 {dimension_numbers = #tpu.dot_dimension_numbers<[1], [0], [0], [1], [0, 0, 1, 1], [], []>, transpose_lhs_hint = false} : vector<4096x256xbf16>, vector<256x512xbf16>, vector<4096x512xf32> -> vector<4096x512xf32>
    %get3A_290 = arith.constant 0 : index
    %get3A_291 = arith.constant 2560 : index
    %get3A_292 = vector.load %arg5[%get3A_290, %get3A_291] : memref<1x8192xf32, #tpu.memory_space<vmem>>, vector<1x512xf32>
    %add3A_293 = vector.broadcast %get3A_6 : vector<4096x1xf32> to vector<4096x512xf32>
    %add3A_294 = vector.broadcast %get3A_292 : vector<1x512xf32> to vector<4096x512xf32>
    %add3A_295 = arith.addf %add3A_293, %add3A_294 : vector<4096x512xf32>
    %add3A_296 = arith.addf %add3A_295, %dot_general3A_289 : vector<4096x512xf32>
    %slice3A_297 = vector.extract_strided_slice %add3A_296 {offsets = [0, 0], sizes = [4096, 128], strides = [1, 1]} : vector<4096x512xf32> to vector<4096x128xf32>
    %mul3A_298 = arith.constant 64 : i32
    %mul3A_299 = arith.muli %arg1, %mul3A_298 : i32
    %add3A_300 = arith.constant 20 : i32
    %add3A_301 = arith.addi %mul3A_299, %add3A_300 : i32
    %add3A_302 = arith.constant 0 : i32
    %add3A_303 = arith.addi %add3A_301, %add3A_302 : i32
    %lt3A_304 = arith.cmpf olt, %slice3A_297, %min3A_282 : vector<4096x128xf32>
    %min3A_305 = arith.minimumf %min3A_282, %slice3A_297 : vector<4096x128xf32>
    %broadcast_in_dim3A_306 = vector.broadcast %add3A_303 : i32 to vector<4096x128xi32>
    %select_n3A_307 = arith.select %lt3A_304, %broadcast_in_dim3A_306, %select_n3A_284 : vector<4096x128xi1>, vector<4096x128xi32>
    %slice3A_308 = vector.extract_strided_slice %add3A_296 {offsets = [0, 128], sizes = [4096, 128], strides = [1, 1]} : vector<4096x512xf32> to vector<4096x128xf32>
    %mul3A_309 = arith.constant 64 : i32
    %mul3A_310 = arith.muli %arg1, %mul3A_309 : i32
    %add3A_311 = arith.constant 20 : i32
    %add3A_312 = arith.addi %mul3A_310, %add3A_311 : i32
    %add3A_313 = arith.constant 1 : i32
    %add3A_314 = arith.addi %add3A_312, %add3A_313 : i32
    %lt3A_315 = arith.cmpf olt, %slice3A_308, %min3A_305 : vector<4096x128xf32>
    %min3A_316 = arith.minimumf %min3A_305, %slice3A_308 : vector<4096x128xf32>
    %broadcast_in_dim3A_317 = vector.broadcast %add3A_314 : i32 to vector<4096x128xi32>
    %select_n3A_318 = arith.select %lt3A_315, %broadcast_in_dim3A_317, %select_n3A_307 : vector<4096x128xi1>, vector<4096x128xi32>
    %slice3A_319 = vector.extract_strided_slice %add3A_296 {offsets = [0, 256], sizes = [4096, 128], strides = [1, 1]} : vector<4096x512xf32> to vector<4096x128xf32>
    %mul3A_320 = arith.constant 64 : i32
    %mul3A_321 = arith.muli %arg1, %mul3A_320 : i32
    %add3A_322 = arith.constant 20 : i32
    %add3A_323 = arith.addi %mul3A_321, %add3A_322 : i32
    %add3A_324 = arith.constant 2 : i32
    %add3A_325 = arith.addi %add3A_323, %add3A_324 : i32
    %lt3A_326 = arith.cmpf olt, %slice3A_319, %min3A_316 : vector<4096x128xf32>
    %min3A_327 = arith.minimumf %min3A_316, %slice3A_319 : vector<4096x128xf32>
    %broadcast_in_dim3A_328 = vector.broadcast %add3A_325 : i32 to vector<4096x128xi32>
    %select_n3A_329 = arith.select %lt3A_326, %broadcast_in_dim3A_328, %select_n3A_318 : vector<4096x128xi1>, vector<4096x128xi32>
    %slice3A_330 = vector.extract_strided_slice %add3A_296 {offsets = [0, 384], sizes = [4096, 128], strides = [1, 1]} : vector<4096x512xf32> to vector<4096x128xf32>
    %mul3A_331 = arith.constant 64 : i32
    %mul3A_332 = arith.muli %arg1, %mul3A_331 : i32
    %add3A_333 = arith.constant 20 : i32
    %add3A_334 = arith.addi %mul3A_332, %add3A_333 : i32
    %add3A_335 = arith.constant 3 : i32
    %add3A_336 = arith.addi %add3A_334, %add3A_335 : i32
    %lt3A_337 = arith.cmpf olt, %slice3A_330, %min3A_327 : vector<4096x128xf32>
    %min3A_338 = arith.minimumf %min3A_327, %slice3A_330 : vector<4096x128xf32>
    %broadcast_in_dim3A_339 = vector.broadcast %add3A_336 : i32 to vector<4096x128xi32>
    %select_n3A_340 = arith.select %lt3A_337, %broadcast_in_dim3A_339, %select_n3A_329 : vector<4096x128xi1>, vector<4096x128xi32>
    %get3A_341 = arith.constant 0 : index
    %get3A_342 = arith.constant 3072 : index
    %get3A_343 = vector.load %arg3[%get3A_341, %get3A_342] : memref<256x8192xbf16, #tpu.memory_space<vmem>>, vector<256x512xbf16>
    %dot_general3A_344 = arith.constant dense<0.000000e+00> : vector<4096x512xf32>
    %dot_general3A_345 = tpu.matmul %get3A_3, %get3A_343, %dot_general3A_344 {dimension_numbers = #tpu.dot_dimension_numbers<[1], [0], [0], [1], [0, 0, 1, 1], [], []>, transpose_lhs_hint = false} : vector<4096x256xbf16>, vector<256x512xbf16>, vector<4096x512xf32> -> vector<4096x512xf32>
    %get3A_346 = arith.constant 0 : index
    %get3A_347 = arith.constant 3072 : index
    %get3A_348 = vector.load %arg5[%get3A_346, %get3A_347] : memref<1x8192xf32, #tpu.memory_space<vmem>>, vector<1x512xf32>
    %add3A_349 = vector.broadcast %get3A_6 : vector<4096x1xf32> to vector<4096x512xf32>
    %add3A_350 = vector.broadcast %get3A_348 : vector<1x512xf32> to vector<4096x512xf32>
    %add3A_351 = arith.addf %add3A_349, %add3A_350 : vector<4096x512xf32>
    %add3A_352 = arith.addf %add3A_351, %dot_general3A_345 : vector<4096x512xf32>
    %slice3A_353 = vector.extract_strided_slice %add3A_352 {offsets = [0, 0], sizes = [4096, 128], strides = [1, 1]} : vector<4096x512xf32> to vector<4096x128xf32>
    %mul3A_354 = arith.constant 64 : i32
    %mul3A_355 = arith.muli %arg1, %mul3A_354 : i32
    %add3A_356 = arith.constant 24 : i32
    %add3A_357 = arith.addi %mul3A_355, %add3A_356 : i32
    %add3A_358 = arith.constant 0 : i32
    %add3A_359 = arith.addi %add3A_357, %add3A_358 : i32
    %lt3A_360 = arith.cmpf olt, %slice3A_353, %min3A_338 : vector<4096x128xf32>
    %min3A_361 = arith.minimumf %min3A_338, %slice3A_353 : vector<4096x128xf32>
    %broadcast_in_dim3A_362 = vector.broadcast %add3A_359 : i32 to vector<4096x128xi32>
    %select_n3A_363 = arith.select %lt3A_360, %broadcast_in_dim3A_362, %select_n3A_340 : vector<4096x128xi1>, vector<4096x128xi32>
    %slice3A_364 = vector.extract_strided_slice %add3A_352 {offsets = [0, 128], sizes = [4096, 128], strides = [1, 1]} : vector<4096x512xf32> to vector<4096x128xf32>
    %mul3A_365 = arith.constant 64 : i32
    %mul3A_366 = arith.muli %arg1, %mul3A_365 : i32
    %add3A_367 = arith.constant 24 : i32
    %add3A_368 = arith.addi %mul3A_366, %add3A_367 : i32
    %add3A_369 = arith.constant 1 : i32
    %add3A_370 = arith.addi %add3A_368, %add3A_369 : i32
    %lt3A_371 = arith.cmpf olt, %slice3A_364, %min3A_361 : vector<4096x128xf32>
    %min3A_372 = arith.minimumf %min3A_361, %slice3A_364 : vector<4096x128xf32>
    %broadcast_in_dim3A_373 = vector.broadcast %add3A_370 : i32 to vector<4096x128xi32>
    %select_n3A_374 = arith.select %lt3A_371, %broadcast_in_dim3A_373, %select_n3A_363 : vector<4096x128xi1>, vector<4096x128xi32>
    %slice3A_375 = vector.extract_strided_slice %add3A_352 {offsets = [0, 256], sizes = [4096, 128], strides = [1, 1]} : vector<4096x512xf32> to vector<4096x128xf32>
    %mul3A_376 = arith.constant 64 : i32
    %mul3A_377 = arith.muli %arg1, %mul3A_376 : i32
    %add3A_378 = arith.constant 24 : i32
    %add3A_379 = arith.addi %mul3A_377, %add3A_378 : i32
    %add3A_380 = arith.constant 2 : i32
    %add3A_381 = arith.addi %add3A_379, %add3A_380 : i32
    %lt3A_382 = arith.cmpf olt, %slice3A_375, %min3A_372 : vector<4096x128xf32>
    %min3A_383 = arith.minimumf %min3A_372, %slice3A_375 : vector<4096x128xf32>
    %broadcast_in_dim3A_384 = vector.broadcast %add3A_381 : i32 to vector<4096x128xi32>
    %select_n3A_385 = arith.select %lt3A_382, %broadcast_in_dim3A_384, %select_n3A_374 : vector<4096x128xi1>, vector<4096x128xi32>
    %slice3A_386 = vector.extract_strided_slice %add3A_352 {offsets = [0, 384], sizes = [4096, 128], strides = [1, 1]} : vector<4096x512xf32> to vector<4096x128xf32>
    %mul3A_387 = arith.constant 64 : i32
    %mul3A_388 = arith.muli %arg1, %mul3A_387 : i32
    %add3A_389 = arith.constant 24 : i32
    %add3A_390 = arith.addi %mul3A_388, %add3A_389 : i32
    %add3A_391 = arith.constant 3 : i32
    %add3A_392 = arith.addi %add3A_390, %add3A_391 : i32
    %lt3A_393 = arith.cmpf olt, %slice3A_386, %min3A_383 : vector<4096x128xf32>
    %min3A_394 = arith.minimumf %min3A_383, %slice3A_386 : vector<4096x128xf32>
    %broadcast_in_dim3A_395 = vector.broadcast %add3A_392 : i32 to vector<4096x128xi32>
    %select_n3A_396 = arith.select %lt3A_393, %broadcast_in_dim3A_395, %select_n3A_385 : vector<4096x128xi1>, vector<4096x128xi32>
    %get3A_397 = arith.constant 0 : index
    %get3A_398 = arith.constant 3584 : index
    %get3A_399 = vector.load %arg3[%get3A_397, %get3A_398] : memref<256x8192xbf16, #tpu.memory_space<vmem>>, vector<256x512xbf16>
    %dot_general3A_400 = arith.constant dense<0.000000e+00> : vector<4096x512xf32>
    %dot_general3A_401 = tpu.matmul %get3A_3, %get3A_399, %dot_general3A_400 {dimension_numbers = #tpu.dot_dimension_numbers<[1], [0], [0], [1], [0, 0, 1, 1], [], []>, transpose_lhs_hint = false} : vector<4096x256xbf16>, vector<256x512xbf16>, vector<4096x512xf32> -> vector<4096x512xf32>
    %get3A_402 = arith.constant 0 : index
    %get3A_403 = arith.constant 3584 : index
    %get3A_404 = vector.load %arg5[%get3A_402, %get3A_403] : memref<1x8192xf32, #tpu.memory_space<vmem>>, vector<1x512xf32>
    %add3A_405 = vector.broadcast %get3A_6 : vector<4096x1xf32> to vector<4096x512xf32>
    %add3A_406 = vector.broadcast %get3A_404 : vector<1x512xf32> to vector<4096x512xf32>
    %add3A_407 = arith.addf %add3A_405, %add3A_406 : vector<4096x512xf32>
    %add3A_408 = arith.addf %add3A_407, %dot_general3A_401 : vector<4096x512xf32>
    %slice3A_409 = vector.extract_strided_slice %add3A_408 {offsets = [0, 0], sizes = [4096, 128], strides = [1, 1]} : vector<4096x512xf32> to vector<4096x128xf32>
    %mul3A_410 = arith.constant 64 : i32
    %mul3A_411 = arith.muli %arg1, %mul3A_410 : i32
    %add3A_412 = arith.constant 28 : i32
    %add3A_413 = arith.addi %mul3A_411, %add3A_412 : i32
    %add3A_414 = arith.constant 0 : i32
    %add3A_415 = arith.addi %add3A_413, %add3A_414 : i32
    %lt3A_416 = arith.cmpf olt, %slice3A_409, %min3A_394 : vector<4096x128xf32>
    %min3A_417 = arith.minimumf %min3A_394, %slice3A_409 : vector<4096x128xf32>
    %broadcast_in_dim3A_418 = vector.broadcast %add3A_415 : i32 to vector<4096x128xi32>
    %select_n3A_419 = arith.select %lt3A_416, %broadcast_in_dim3A_418, %select_n3A_396 : vector<4096x128xi1>, vector<4096x128xi32>
    %slice3A_420 = vector.extract_strided_slice %add3A_408 {offsets = [0, 128], sizes = [4096, 128], strides = [1, 1]} : vector<4096x512xf32> to vector<4096x128xf32>
    %mul3A_421 = arith.constant 64 : i32
    %mul3A_422 = arith.muli %arg1, %mul3A_421 : i32
    %add3A_423 = arith.constant 28 : i32
    %add3A_424 = arith.addi %mul3A_422, %add3A_423 : i32
    %add3A_425 = arith.constant 1 : i32
    %add3A_426 = arith.addi %add3A_424, %add3A_425 : i32
    %lt3A_427 = arith.cmpf olt, %slice3A_420, %min3A_417 : vector<4096x128xf32>
    %min3A_428 = arith.minimumf %min3A_417, %slice3A_420 : vector<4096x128xf32>
    %broadcast_in_dim3A_429 = vector.broadcast %add3A_426 : i32 to vector<4096x128xi32>
    %select_n3A_430 = arith.select %lt3A_427, %broadcast_in_dim3A_429, %select_n3A_419 : vector<4096x128xi1>, vector<4096x128xi32>
    %slice3A_431 = vector.extract_strided_slice %add3A_408 {offsets = [0, 256], sizes = [4096, 128], strides = [1, 1]} : vector<4096x512xf32> to vector<4096x128xf32>
    %mul3A_432 = arith.constant 64 : i32
    %mul3A_433 = arith.muli %arg1, %mul3A_432 : i32
    %add3A_434 = arith.constant 28 : i32
    %add3A_435 = arith.addi %mul3A_433, %add3A_434 : i32
    %add3A_436 = arith.constant 2 : i32
    %add3A_437 = arith.addi %add3A_435, %add3A_436 : i32
    %lt3A_438 = arith.cmpf olt, %slice3A_431, %min3A_428 : vector<4096x128xf32>
    %min3A_439 = arith.minimumf %min3A_428, %slice3A_431 : vector<4096x128xf32>
    %broadcast_in_dim3A_440 = vector.broadcast %add3A_437 : i32 to vector<4096x128xi32>
    %select_n3A_441 = arith.select %lt3A_438, %broadcast_in_dim3A_440, %select_n3A_430 : vector<4096x128xi1>, vector<4096x128xi32>
    %slice3A_442 = vector.extract_strided_slice %add3A_408 {offsets = [0, 384], sizes = [4096, 128], strides = [1, 1]} : vector<4096x512xf32> to vector<4096x128xf32>
    %mul3A_443 = arith.constant 64 : i32
    %mul3A_444 = arith.muli %arg1, %mul3A_443 : i32
    %add3A_445 = arith.constant 28 : i32
    %add3A_446 = arith.addi %mul3A_444, %add3A_445 : i32
    %add3A_447 = arith.constant 3 : i32
    %add3A_448 = arith.addi %add3A_446, %add3A_447 : i32
    %lt3A_449 = arith.cmpf olt, %slice3A_442, %min3A_439 : vector<4096x128xf32>
    %min3A_450 = arith.minimumf %min3A_439, %slice3A_442 : vector<4096x128xf32>
    %broadcast_in_dim3A_451 = vector.broadcast %add3A_448 : i32 to vector<4096x128xi32>
    %select_n3A_452 = arith.select %lt3A_449, %broadcast_in_dim3A_451, %select_n3A_441 : vector<4096x128xi1>, vector<4096x128xi32>
    %get3A_453 = arith.constant 0 : index
    %get3A_454 = arith.constant 4096 : index
    %get3A_455 = vector.load %arg3[%get3A_453, %get3A_454] : memref<256x8192xbf16, #tpu.memory_space<vmem>>, vector<256x512xbf16>
    %dot_general3A_456 = arith.constant dense<0.000000e+00> : vector<4096x512xf32>
    %dot_general3A_457 = tpu.matmul %get3A_3, %get3A_455, %dot_general3A_456 {dimension_numbers = #tpu.dot_dimension_numbers<[1], [0], [0], [1], [0, 0, 1, 1], [], []>, transpose_lhs_hint = false} : vector<4096x256xbf16>, vector<256x512xbf16>, vector<4096x512xf32> -> vector<4096x512xf32>
    %get3A_458 = arith.constant 0 : index
    %get3A_459 = arith.constant 4096 : index
    %get3A_460 = vector.load %arg5[%get3A_458, %get3A_459] : memref<1x8192xf32, #tpu.memory_space<vmem>>, vector<1x512xf32>
    %add3A_461 = vector.broadcast %get3A_6 : vector<4096x1xf32> to vector<4096x512xf32>
    %add3A_462 = vector.broadcast %get3A_460 : vector<1x512xf32> to vector<4096x512xf32>
    %add3A_463 = arith.addf %add3A_461, %add3A_462 : vector<4096x512xf32>
    %add3A_464 = arith.addf %add3A_463, %dot_general3A_457 : vector<4096x512xf32>
    %slice3A_465 = vector.extract_strided_slice %add3A_464 {offsets = [0, 0], sizes = [4096, 128], strides = [1, 1]} : vector<4096x512xf32> to vector<4096x128xf32>
    %mul3A_466 = arith.constant 64 : i32
    %mul3A_467 = arith.muli %arg1, %mul3A_466 : i32
    %add3A_468 = arith.constant 32 : i32
    %add3A_469 = arith.addi %mul3A_467, %add3A_468 : i32
    %add3A_470 = arith.constant 0 : i32
    %add3A_471 = arith.addi %add3A_469, %add3A_470 : i32
    %lt3A_472 = arith.cmpf olt, %slice3A_465, %min3A_450 : vector<4096x128xf32>
    %min3A_473 = arith.minimumf %min3A_450, %slice3A_465 : vector<4096x128xf32>
    %broadcast_in_dim3A_474 = vector.broadcast %add3A_471 : i32 to vector<4096x128xi32>
    %select_n3A_475 = arith.select %lt3A_472, %broadcast_in_dim3A_474, %select_n3A_452 : vector<4096x128xi1>, vector<4096x128xi32>
    %slice3A_476 = vector.extract_strided_slice %add3A_464 {offsets = [0, 128], sizes = [4096, 128], strides = [1, 1]} : vector<4096x512xf32> to vector<4096x128xf32>
    %mul3A_477 = arith.constant 64 : i32
    %mul3A_478 = arith.muli %arg1, %mul3A_477 : i32
    %add3A_479 = arith.constant 32 : i32
    %add3A_480 = arith.addi %mul3A_478, %add3A_479 : i32
    %add3A_481 = arith.constant 1 : i32
    %add3A_482 = arith.addi %add3A_480, %add3A_481 : i32
    %lt3A_483 = arith.cmpf olt, %slice3A_476, %min3A_473 : vector<4096x128xf32>
    %min3A_484 = arith.minimumf %min3A_473, %slice3A_476 : vector<4096x128xf32>
    %broadcast_in_dim3A_485 = vector.broadcast %add3A_482 : i32 to vector<4096x128xi32>
    %select_n3A_486 = arith.select %lt3A_483, %broadcast_in_dim3A_485, %select_n3A_475 : vector<4096x128xi1>, vector<4096x128xi32>
    %slice3A_487 = vector.extract_strided_slice %add3A_464 {offsets = [0, 256], sizes = [4096, 128], strides = [1, 1]} : vector<4096x512xf32> to vector<4096x128xf32>
    %mul3A_488 = arith.constant 64 : i32
    %mul3A_489 = arith.muli %arg1, %mul3A_488 : i32
    %add3A_490 = arith.constant 32 : i32
    %add3A_491 = arith.addi %mul3A_489, %add3A_490 : i32
    %add3A_492 = arith.constant 2 : i32
    %add3A_493 = arith.addi %add3A_491, %add3A_492 : i32
    %lt3A_494 = arith.cmpf olt, %slice3A_487, %min3A_484 : vector<4096x128xf32>
    %min3A_495 = arith.minimumf %min3A_484, %slice3A_487 : vector<4096x128xf32>
    %broadcast_in_dim3A_496 = vector.broadcast %add3A_493 : i32 to vector<4096x128xi32>
    %select_n3A_497 = arith.select %lt3A_494, %broadcast_in_dim3A_496, %select_n3A_486 : vector<4096x128xi1>, vector<4096x128xi32>
    %slice3A_498 = vector.extract_strided_slice %add3A_464 {offsets = [0, 384], sizes = [4096, 128], strides = [1, 1]} : vector<4096x512xf32> to vector<4096x128xf32>
    %mul3A_499 = arith.constant 64 : i32
    %mul3A_500 = arith.muli %arg1, %mul3A_499 : i32
    %add3A_501 = arith.constant 32 : i32
    %add3A_502 = arith.addi %mul3A_500, %add3A_501 : i32
    %add3A_503 = arith.constant 3 : i32
    %add3A_504 = arith.addi %add3A_502, %add3A_503 : i32
    %lt3A_505 = arith.cmpf olt, %slice3A_498, %min3A_495 : vector<4096x128xf32>
    %min3A_506 = arith.minimumf %min3A_495, %slice3A_498 : vector<4096x128xf32>
    %broadcast_in_dim3A_507 = vector.broadcast %add3A_504 : i32 to vector<4096x128xi32>
    %select_n3A_508 = arith.select %lt3A_505, %broadcast_in_dim3A_507, %select_n3A_497 : vector<4096x128xi1>, vector<4096x128xi32>
    %get3A_509 = arith.constant 0 : index
    %get3A_510 = arith.constant 4608 : index
    %get3A_511 = vector.load %arg3[%get3A_509, %get3A_510] : memref<256x8192xbf16, #tpu.memory_space<vmem>>, vector<256x512xbf16>
    %dot_general3A_512 = arith.constant dense<0.000000e+00> : vector<4096x512xf32>
    %dot_general3A_513 = tpu.matmul %get3A_3, %get3A_511, %dot_general3A_512 {dimension_numbers = #tpu.dot_dimension_numbers<[1], [0], [0], [1], [0, 0, 1, 1], [], []>, transpose_lhs_hint = false} : vector<4096x256xbf16>, vector<256x512xbf16>, vector<4096x512xf32> -> vector<4096x512xf32>
    %get3A_514 = arith.constant 0 : index
    %get3A_515 = arith.constant 4608 : index
    %get3A_516 = vector.load %arg5[%get3A_514, %get3A_515] : memref<1x8192xf32, #tpu.memory_space<vmem>>, vector<1x512xf32>
    %add3A_517 = vector.broadcast %get3A_6 : vector<4096x1xf32> to vector<4096x512xf32>
    %add3A_518 = vector.broadcast %get3A_516 : vector<1x512xf32> to vector<4096x512xf32>
    %add3A_519 = arith.addf %add3A_517, %add3A_518 : vector<4096x512xf32>
    %add3A_520 = arith.addf %add3A_519, %dot_general3A_513 : vector<4096x512xf32>
    %slice3A_521 = vector.extract_strided_slice %add3A_520 {offsets = [0, 0], sizes = [4096, 128], strides = [1, 1]} : vector<4096x512xf32> to vector<4096x128xf32>
    %mul3A_522 = arith.constant 64 : i32
    %mul3A_523 = arith.muli %arg1, %mul3A_522 : i32
    %add3A_524 = arith.constant 36 : i32
    %add3A_525 = arith.addi %mul3A_523, %add3A_524 : i32
    %add3A_526 = arith.constant 0 : i32
    %add3A_527 = arith.addi %add3A_525, %add3A_526 : i32
    %lt3A_528 = arith.cmpf olt, %slice3A_521, %min3A_506 : vector<4096x128xf32>
    %min3A_529 = arith.minimumf %min3A_506, %slice3A_521 : vector<4096x128xf32>
    %broadcast_in_dim3A_530 = vector.broadcast %add3A_527 : i32 to vector<4096x128xi32>
    %select_n3A_531 = arith.select %lt3A_528, %broadcast_in_dim3A_530, %select_n3A_508 : vector<4096x128xi1>, vector<4096x128xi32>
    %slice3A_532 = vector.extract_strided_slice %add3A_520 {offsets = [0, 128], sizes = [4096, 128], strides = [1, 1]} : vector<4096x512xf32> to vector<4096x128xf32>
    %mul3A_533 = arith.constant 64 : i32
    %mul3A_534 = arith.muli %arg1, %mul3A_533 : i32
    %add3A_535 = arith.constant 36 : i32
    %add3A_536 = arith.addi %mul3A_534, %add3A_535 : i32
    %add3A_537 = arith.constant 1 : i32
    %add3A_538 = arith.addi %add3A_536, %add3A_537 : i32
    %lt3A_539 = arith.cmpf olt, %slice3A_532, %min3A_529 : vector<4096x128xf32>
    %min3A_540 = arith.minimumf %min3A_529, %slice3A_532 : vector<4096x128xf32>
    %broadcast_in_dim3A_541 = vector.broadcast %add3A_538 : i32 to vector<4096x128xi32>
    %select_n3A_542 = arith.select %lt3A_539, %broadcast_in_dim3A_541, %select_n3A_531 : vector<4096x128xi1>, vector<4096x128xi32>
    %slice3A_543 = vector.extract_strided_slice %add3A_520 {offsets = [0, 256], sizes = [4096, 128], strides = [1, 1]} : vector<4096x512xf32> to vector<4096x128xf32>
    %mul3A_544 = arith.constant 64 : i32
    %mul3A_545 = arith.muli %arg1, %mul3A_544 : i32
    %add3A_546 = arith.constant 36 : i32
    %add3A_547 = arith.addi %mul3A_545, %add3A_546 : i32
    %add3A_548 = arith.constant 2 : i32
    %add3A_549 = arith.addi %add3A_547, %add3A_548 : i32
    %lt3A_550 = arith.cmpf olt, %slice3A_543, %min3A_540 : vector<4096x128xf32>
    %min3A_551 = arith.minimumf %min3A_540, %slice3A_543 : vector<4096x128xf32>
    %broadcast_in_dim3A_552 = vector.broadcast %add3A_549 : i32 to vector<4096x128xi32>
    %select_n3A_553 = arith.select %lt3A_550, %broadcast_in_dim3A_552, %select_n3A_542 : vector<4096x128xi1>, vector<4096x128xi32>
    %slice3A_554 = vector.extract_strided_slice %add3A_520 {offsets = [0, 384], sizes = [4096, 128], strides = [1, 1]} : vector<4096x512xf32> to vector<4096x128xf32>
    %mul3A_555 = arith.constant 64 : i32
    %mul3A_556 = arith.muli %arg1, %mul3A_555 : i32
    %add3A_557 = arith.constant 36 : i32
    %add3A_558 = arith.addi %mul3A_556, %add3A_557 : i32
    %add3A_559 = arith.constant 3 : i32
    %add3A_560 = arith.addi %add3A_558, %add3A_559 : i32
    %lt3A_561 = arith.cmpf olt, %slice3A_554, %min3A_551 : vector<4096x128xf32>
    %min3A_562 = arith.minimumf %min3A_551, %slice3A_554 : vector<4096x128xf32>
    %broadcast_in_dim3A_563 = vector.broadcast %add3A_560 : i32 to vector<4096x128xi32>
    %select_n3A_564 = arith.select %lt3A_561, %broadcast_in_dim3A_563, %select_n3A_553 : vector<4096x128xi1>, vector<4096x128xi32>
    %get3A_565 = arith.constant 0 : index
    %get3A_566 = arith.constant 5120 : index
    %get3A_567 = vector.load %arg3[%get3A_565, %get3A_566] : memref<256x8192xbf16, #tpu.memory_space<vmem>>, vector<256x512xbf16>
    %dot_general3A_568 = arith.constant dense<0.000000e+00> : vector<4096x512xf32>
    %dot_general3A_569 = tpu.matmul %get3A_3, %get3A_567, %dot_general3A_568 {dimension_numbers = #tpu.dot_dimension_numbers<[1], [0], [0], [1], [0, 0, 1, 1], [], []>, transpose_lhs_hint = false} : vector<4096x256xbf16>, vector<256x512xbf16>, vector<4096x512xf32> -> vector<4096x512xf32>
    %get3A_570 = arith.constant 0 : index
    %get3A_571 = arith.constant 5120 : index
    %get3A_572 = vector.load %arg5[%get3A_570, %get3A_571] : memref<1x8192xf32, #tpu.memory_space<vmem>>, vector<1x512xf32>
    %add3A_573 = vector.broadcast %get3A_6 : vector<4096x1xf32> to vector<4096x512xf32>
    %add3A_574 = vector.broadcast %get3A_572 : vector<1x512xf32> to vector<4096x512xf32>
    %add3A_575 = arith.addf %add3A_573, %add3A_574 : vector<4096x512xf32>
    %add3A_576 = arith.addf %add3A_575, %dot_general3A_569 : vector<4096x512xf32>
    %slice3A_577 = vector.extract_strided_slice %add3A_576 {offsets = [0, 0], sizes = [4096, 128], strides = [1, 1]} : vector<4096x512xf32> to vector<4096x128xf32>
    %mul3A_578 = arith.constant 64 : i32
    %mul3A_579 = arith.muli %arg1, %mul3A_578 : i32
    %add3A_580 = arith.constant 40 : i32
    %add3A_581 = arith.addi %mul3A_579, %add3A_580 : i32
    %add3A_582 = arith.constant 0 : i32
    %add3A_583 = arith.addi %add3A_581, %add3A_582 : i32
    %lt3A_584 = arith.cmpf olt, %slice3A_577, %min3A_562 : vector<4096x128xf32>
    %min3A_585 = arith.minimumf %min3A_562, %slice3A_577 : vector<4096x128xf32>
    %broadcast_in_dim3A_586 = vector.broadcast %add3A_583 : i32 to vector<4096x128xi32>
    %select_n3A_587 = arith.select %lt3A_584, %broadcast_in_dim3A_586, %select_n3A_564 : vector<4096x128xi1>, vector<4096x128xi32>
    %slice3A_588 = vector.extract_strided_slice %add3A_576 {offsets = [0, 128], sizes = [4096, 128], strides = [1, 1]} : vector<4096x512xf32> to vector<4096x128xf32>
    %mul3A_589 = arith.constant 64 : i32
    %mul3A_590 = arith.muli %arg1, %mul3A_589 : i32
    %add3A_591 = arith.constant 40 : i32
    %add3A_592 = arith.addi %mul3A_590, %add3A_591 : i32
    %add3A_593 = arith.constant 1 : i32
    %add3A_594 = arith.addi %add3A_592, %add3A_593 : i32
    %lt3A_595 = arith.cmpf olt, %slice3A_588, %min3A_585 : vector<4096x128xf32>
    %min3A_596 = arith.minimumf %min3A_585, %slice3A_588 : vector<4096x128xf32>
    %broadcast_in_dim3A_597 = vector.broadcast %add3A_594 : i32 to vector<4096x128xi32>
    %select_n3A_598 = arith.select %lt3A_595, %broadcast_in_dim3A_597, %select_n3A_587 : vector<4096x128xi1>, vector<4096x128xi32>
    %slice3A_599 = vector.extract_strided_slice %add3A_576 {offsets = [0, 256], sizes = [4096, 128], strides = [1, 1]} : vector<4096x512xf32> to vector<4096x128xf32>
    %mul3A_600 = arith.constant 64 : i32
    %mul3A_601 = arith.muli %arg1, %mul3A_600 : i32
    %add3A_602 = arith.constant 40 : i32
    %add3A_603 = arith.addi %mul3A_601, %add3A_602 : i32
    %add3A_604 = arith.constant 2 : i32
    %add3A_605 = arith.addi %add3A_603, %add3A_604 : i32
    %lt3A_606 = arith.cmpf olt, %slice3A_599, %min3A_596 : vector<4096x128xf32>
    %min3A_607 = arith.minimumf %min3A_596, %slice3A_599 : vector<4096x128xf32>
    %broadcast_in_dim3A_608 = vector.broadcast %add3A_605 : i32 to vector<4096x128xi32>
    %select_n3A_609 = arith.select %lt3A_606, %broadcast_in_dim3A_608, %select_n3A_598 : vector<4096x128xi1>, vector<4096x128xi32>
    %slice3A_610 = vector.extract_strided_slice %add3A_576 {offsets = [0, 384], sizes = [4096, 128], strides = [1, 1]} : vector<4096x512xf32> to vector<4096x128xf32>
    %mul3A_611 = arith.constant 64 : i32
    %mul3A_612 = arith.muli %arg1, %mul3A_611 : i32
    %add3A_613 = arith.constant 40 : i32
    %add3A_614 = arith.addi %mul3A_612, %add3A_613 : i32
    %add3A_615 = arith.constant 3 : i32
    %add3A_616 = arith.addi %add3A_614, %add3A_615 : i32
    %lt3A_617 = arith.cmpf olt, %slice3A_610, %min3A_607 : vector<4096x128xf32>
    %min3A_618 = arith.minimumf %min3A_607, %slice3A_610 : vector<4096x128xf32>
    %broadcast_in_dim3A_619 = vector.broadcast %add3A_616 : i32 to vector<4096x128xi32>
    %select_n3A_620 = arith.select %lt3A_617, %broadcast_in_dim3A_619, %select_n3A_609 : vector<4096x128xi1>, vector<4096x128xi32>
    %get3A_621 = arith.constant 0 : index
    %get3A_622 = arith.constant 5632 : index
    %get3A_623 = vector.load %arg3[%get3A_621, %get3A_622] : memref<256x8192xbf16, #tpu.memory_space<vmem>>, vector<256x512xbf16>
    %dot_general3A_624 = arith.constant dense<0.000000e+00> : vector<4096x512xf32>
    %dot_general3A_625 = tpu.matmul %get3A_3, %get3A_623, %dot_general3A_624 {dimension_numbers = #tpu.dot_dimension_numbers<[1], [0], [0], [1], [0, 0, 1, 1], [], []>, transpose_lhs_hint = false} : vector<4096x256xbf16>, vector<256x512xbf16>, vector<4096x512xf32> -> vector<4096x512xf32>
    %get3A_626 = arith.constant 0 : index
    %get3A_627 = arith.constant 5632 : index
    %get3A_628 = vector.load %arg5[%get3A_626, %get3A_627] : memref<1x8192xf32, #tpu.memory_space<vmem>>, vector<1x512xf32>
    %add3A_629 = vector.broadcast %get3A_6 : vector<4096x1xf32> to vector<4096x512xf32>
    %add3A_630 = vector.broadcast %get3A_628 : vector<1x512xf32> to vector<4096x512xf32>
    %add3A_631 = arith.addf %add3A_629, %add3A_630 : vector<4096x512xf32>
    %add3A_632 = arith.addf %add3A_631, %dot_general3A_625 : vector<4096x512xf32>
    %slice3A_633 = vector.extract_strided_slice %add3A_632 {offsets = [0, 0], sizes = [4096, 128], strides = [1, 1]} : vector<4096x512xf32> to vector<4096x128xf32>
    %mul3A_634 = arith.constant 64 : i32
    %mul3A_635 = arith.muli %arg1, %mul3A_634 : i32
    %add3A_636 = arith.constant 44 : i32
    %add3A_637 = arith.addi %mul3A_635, %add3A_636 : i32
    %add3A_638 = arith.constant 0 : i32
    %add3A_639 = arith.addi %add3A_637, %add3A_638 : i32
    %lt3A_640 = arith.cmpf olt, %slice3A_633, %min3A_618 : vector<4096x128xf32>
    %min3A_641 = arith.minimumf %min3A_618, %slice3A_633 : vector<4096x128xf32>
    %broadcast_in_dim3A_642 = vector.broadcast %add3A_639 : i32 to vector<4096x128xi32>
    %select_n3A_643 = arith.select %lt3A_640, %broadcast_in_dim3A_642, %select_n3A_620 : vector<4096x128xi1>, vector<4096x128xi32>
    %slice3A_644 = vector.extract_strided_slice %add3A_632 {offsets = [0, 128], sizes = [4096, 128], strides = [1, 1]} : vector<4096x512xf32> to vector<4096x128xf32>
    %mul3A_645 = arith.constant 64 : i32
    %mul3A_646 = arith.muli %arg1, %mul3A_645 : i32
    %add3A_647 = arith.constant 44 : i32
    %add3A_648 = arith.addi %mul3A_646, %add3A_647 : i32
    %add3A_649 = arith.constant 1 : i32
    %add3A_650 = arith.addi %add3A_648, %add3A_649 : i32
    %lt3A_651 = arith.cmpf olt, %slice3A_644, %min3A_641 : vector<4096x128xf32>
    %min3A_652 = arith.minimumf %min3A_641, %slice3A_644 : vector<4096x128xf32>
    %broadcast_in_dim3A_653 = vector.broadcast %add3A_650 : i32 to vector<4096x128xi32>
    %select_n3A_654 = arith.select %lt3A_651, %broadcast_in_dim3A_653, %select_n3A_643 : vector<4096x128xi1>, vector<4096x128xi32>
    %slice3A_655 = vector.extract_strided_slice %add3A_632 {offsets = [0, 256], sizes = [4096, 128], strides = [1, 1]} : vector<4096x512xf32> to vector<4096x128xf32>
    %mul3A_656 = arith.constant 64 : i32
    %mul3A_657 = arith.muli %arg1, %mul3A_656 : i32
    %add3A_658 = arith.constant 44 : i32
    %add3A_659 = arith.addi %mul3A_657, %add3A_658 : i32
    %add3A_660 = arith.constant 2 : i32
    %add3A_661 = arith.addi %add3A_659, %add3A_660 : i32
    %lt3A_662 = arith.cmpf olt, %slice3A_655, %min3A_652 : vector<4096x128xf32>
    %min3A_663 = arith.minimumf %min3A_652, %slice3A_655 : vector<4096x128xf32>
    %broadcast_in_dim3A_664 = vector.broadcast %add3A_661 : i32 to vector<4096x128xi32>
    %select_n3A_665 = arith.select %lt3A_662, %broadcast_in_dim3A_664, %select_n3A_654 : vector<4096x128xi1>, vector<4096x128xi32>
    %slice3A_666 = vector.extract_strided_slice %add3A_632 {offsets = [0, 384], sizes = [4096, 128], strides = [1, 1]} : vector<4096x512xf32> to vector<4096x128xf32>
    %mul3A_667 = arith.constant 64 : i32
    %mul3A_668 = arith.muli %arg1, %mul3A_667 : i32
    %add3A_669 = arith.constant 44 : i32
    %add3A_670 = arith.addi %mul3A_668, %add3A_669 : i32
    %add3A_671 = arith.constant 3 : i32
    %add3A_672 = arith.addi %add3A_670, %add3A_671 : i32
    %lt3A_673 = arith.cmpf olt, %slice3A_666, %min3A_663 : vector<4096x128xf32>
    %min3A_674 = arith.minimumf %min3A_663, %slice3A_666 : vector<4096x128xf32>
    %broadcast_in_dim3A_675 = vector.broadcast %add3A_672 : i32 to vector<4096x128xi32>
    %select_n3A_676 = arith.select %lt3A_673, %broadcast_in_dim3A_675, %select_n3A_665 : vector<4096x128xi1>, vector<4096x128xi32>
    %get3A_677 = arith.constant 0 : index
    %get3A_678 = arith.constant 6144 : index
    %get3A_679 = vector.load %arg3[%get3A_677, %get3A_678] : memref<256x8192xbf16, #tpu.memory_space<vmem>>, vector<256x512xbf16>
    %dot_general3A_680 = arith.constant dense<0.000000e+00> : vector<4096x512xf32>
    %dot_general3A_681 = tpu.matmul %get3A_3, %get3A_679, %dot_general3A_680 {dimension_numbers = #tpu.dot_dimension_numbers<[1], [0], [0], [1], [0, 0, 1, 1], [], []>, transpose_lhs_hint = false} : vector<4096x256xbf16>, vector<256x512xbf16>, vector<4096x512xf32> -> vector<4096x512xf32>
    %get3A_682 = arith.constant 0 : index
    %get3A_683 = arith.constant 6144 : index
    %get3A_684 = vector.load %arg5[%get3A_682, %get3A_683] : memref<1x8192xf32, #tpu.memory_space<vmem>>, vector<1x512xf32>
    %add3A_685 = vector.broadcast %get3A_6 : vector<4096x1xf32> to vector<4096x512xf32>
    %add3A_686 = vector.broadcast %get3A_684 : vector<1x512xf32> to vector<4096x512xf32>
    %add3A_687 = arith.addf %add3A_685, %add3A_686 : vector<4096x512xf32>
    %add3A_688 = arith.addf %add3A_687, %dot_general3A_681 : vector<4096x512xf32>
    %slice3A_689 = vector.extract_strided_slice %add3A_688 {offsets = [0, 0], sizes = [4096, 128], strides = [1, 1]} : vector<4096x512xf32> to vector<4096x128xf32>
    %mul3A_690 = arith.constant 64 : i32
    %mul3A_691 = arith.muli %arg1, %mul3A_690 : i32
    %add3A_692 = arith.constant 48 : i32
    %add3A_693 = arith.addi %mul3A_691, %add3A_692 : i32
    %add3A_694 = arith.constant 0 : i32
    %add3A_695 = arith.addi %add3A_693, %add3A_694 : i32
    %lt3A_696 = arith.cmpf olt, %slice3A_689, %min3A_674 : vector<4096x128xf32>
    %min3A_697 = arith.minimumf %min3A_674, %slice3A_689 : vector<4096x128xf32>
    %broadcast_in_dim3A_698 = vector.broadcast %add3A_695 : i32 to vector<4096x128xi32>
    %select_n3A_699 = arith.select %lt3A_696, %broadcast_in_dim3A_698, %select_n3A_676 : vector<4096x128xi1>, vector<4096x128xi32>
    %slice3A_700 = vector.extract_strided_slice %add3A_688 {offsets = [0, 128], sizes = [4096, 128], strides = [1, 1]} : vector<4096x512xf32> to vector<4096x128xf32>
    %mul3A_701 = arith.constant 64 : i32
    %mul3A_702 = arith.muli %arg1, %mul3A_701 : i32
    %add3A_703 = arith.constant 48 : i32
    %add3A_704 = arith.addi %mul3A_702, %add3A_703 : i32
    %add3A_705 = arith.constant 1 : i32
    %add3A_706 = arith.addi %add3A_704, %add3A_705 : i32
    %lt3A_707 = arith.cmpf olt, %slice3A_700, %min3A_697 : vector<4096x128xf32>
    %min3A_708 = arith.minimumf %min3A_697, %slice3A_700 : vector<4096x128xf32>
    %broadcast_in_dim3A_709 = vector.broadcast %add3A_706 : i32 to vector<4096x128xi32>
    %select_n3A_710 = arith.select %lt3A_707, %broadcast_in_dim3A_709, %select_n3A_699 : vector<4096x128xi1>, vector<4096x128xi32>
    %slice3A_711 = vector.extract_strided_slice %add3A_688 {offsets = [0, 256], sizes = [4096, 128], strides = [1, 1]} : vector<4096x512xf32> to vector<4096x128xf32>
    %mul3A_712 = arith.constant 64 : i32
    %mul3A_713 = arith.muli %arg1, %mul3A_712 : i32
    %add3A_714 = arith.constant 48 : i32
    %add3A_715 = arith.addi %mul3A_713, %add3A_714 : i32
    %add3A_716 = arith.constant 2 : i32
    %add3A_717 = arith.addi %add3A_715, %add3A_716 : i32
    %lt3A_718 = arith.cmpf olt, %slice3A_711, %min3A_708 : vector<4096x128xf32>
    %min3A_719 = arith.minimumf %min3A_708, %slice3A_711 : vector<4096x128xf32>
    %broadcast_in_dim3A_720 = vector.broadcast %add3A_717 : i32 to vector<4096x128xi32>
    %select_n3A_721 = arith.select %lt3A_718, %broadcast_in_dim3A_720, %select_n3A_710 : vector<4096x128xi1>, vector<4096x128xi32>
    %slice3A_722 = vector.extract_strided_slice %add3A_688 {offsets = [0, 384], sizes = [4096, 128], strides = [1, 1]} : vector<4096x512xf32> to vector<4096x128xf32>
    %mul3A_723 = arith.constant 64 : i32
    %mul3A_724 = arith.muli %arg1, %mul3A_723 : i32
    %add3A_725 = arith.constant 48 : i32
    %add3A_726 = arith.addi %mul3A_724, %add3A_725 : i32
    %add3A_727 = arith.constant 3 : i32
    %add3A_728 = arith.addi %add3A_726, %add3A_727 : i32
    %lt3A_729 = arith.cmpf olt, %slice3A_722, %min3A_719 : vector<4096x128xf32>
    %min3A_730 = arith.minimumf %min3A_719, %slice3A_722 : vector<4096x128xf32>
    %broadcast_in_dim3A_731 = vector.broadcast %add3A_728 : i32 to vector<4096x128xi32>
    %select_n3A_732 = arith.select %lt3A_729, %broadcast_in_dim3A_731, %select_n3A_721 : vector<4096x128xi1>, vector<4096x128xi32>
    %get3A_733 = arith.constant 0 : index
    %get3A_734 = arith.constant 6656 : index
    %get3A_735 = vector.load %arg3[%get3A_733, %get3A_734] : memref<256x8192xbf16, #tpu.memory_space<vmem>>, vector<256x512xbf16>
    %dot_general3A_736 = arith.constant dense<0.000000e+00> : vector<4096x512xf32>
    %dot_general3A_737 = tpu.matmul %get3A_3, %get3A_735, %dot_general3A_736 {dimension_numbers = #tpu.dot_dimension_numbers<[1], [0], [0], [1], [0, 0, 1, 1], [], []>, transpose_lhs_hint = false} : vector<4096x256xbf16>, vector<256x512xbf16>, vector<4096x512xf32> -> vector<4096x512xf32>
    %get3A_738 = arith.constant 0 : index
    %get3A_739 = arith.constant 6656 : index
    %get3A_740 = vector.load %arg5[%get3A_738, %get3A_739] : memref<1x8192xf32, #tpu.memory_space<vmem>>, vector<1x512xf32>
    %add3A_741 = vector.broadcast %get3A_6 : vector<4096x1xf32> to vector<4096x512xf32>
    %add3A_742 = vector.broadcast %get3A_740 : vector<1x512xf32> to vector<4096x512xf32>
    %add3A_743 = arith.addf %add3A_741, %add3A_742 : vector<4096x512xf32>
    %add3A_744 = arith.addf %add3A_743, %dot_general3A_737 : vector<4096x512xf32>
    %slice3A_745 = vector.extract_strided_slice %add3A_744 {offsets = [0, 0], sizes = [4096, 128], strides = [1, 1]} : vector<4096x512xf32> to vector<4096x128xf32>
    %mul3A_746 = arith.constant 64 : i32
    %mul3A_747 = arith.muli %arg1, %mul3A_746 : i32
    %add3A_748 = arith.constant 52 : i32
    %add3A_749 = arith.addi %mul3A_747, %add3A_748 : i32
    %add3A_750 = arith.constant 0 : i32
    %add3A_751 = arith.addi %add3A_749, %add3A_750 : i32
    %lt3A_752 = arith.cmpf olt, %slice3A_745, %min3A_730 : vector<4096x128xf32>
    %min3A_753 = arith.minimumf %min3A_730, %slice3A_745 : vector<4096x128xf32>
    %broadcast_in_dim3A_754 = vector.broadcast %add3A_751 : i32 to vector<4096x128xi32>
    %select_n3A_755 = arith.select %lt3A_752, %broadcast_in_dim3A_754, %select_n3A_732 : vector<4096x128xi1>, vector<4096x128xi32>
    %slice3A_756 = vector.extract_strided_slice %add3A_744 {offsets = [0, 128], sizes = [4096, 128], strides = [1, 1]} : vector<4096x512xf32> to vector<4096x128xf32>
    %mul3A_757 = arith.constant 64 : i32
    %mul3A_758 = arith.muli %arg1, %mul3A_757 : i32
    %add3A_759 = arith.constant 52 : i32
    %add3A_760 = arith.addi %mul3A_758, %add3A_759 : i32
    %add3A_761 = arith.constant 1 : i32
    %add3A_762 = arith.addi %add3A_760, %add3A_761 : i32
    %lt3A_763 = arith.cmpf olt, %slice3A_756, %min3A_753 : vector<4096x128xf32>
    %min3A_764 = arith.minimumf %min3A_753, %slice3A_756 : vector<4096x128xf32>
    %broadcast_in_dim3A_765 = vector.broadcast %add3A_762 : i32 to vector<4096x128xi32>
    %select_n3A_766 = arith.select %lt3A_763, %broadcast_in_dim3A_765, %select_n3A_755 : vector<4096x128xi1>, vector<4096x128xi32>
    %slice3A_767 = vector.extract_strided_slice %add3A_744 {offsets = [0, 256], sizes = [4096, 128], strides = [1, 1]} : vector<4096x512xf32> to vector<4096x128xf32>
    %mul3A_768 = arith.constant 64 : i32
    %mul3A_769 = arith.muli %arg1, %mul3A_768 : i32
    %add3A_770 = arith.constant 52 : i32
    %add3A_771 = arith.addi %mul3A_769, %add3A_770 : i32
    %add3A_772 = arith.constant 2 : i32
    %add3A_773 = arith.addi %add3A_771, %add3A_772 : i32
    %lt3A_774 = arith.cmpf olt, %slice3A_767, %min3A_764 : vector<4096x128xf32>
    %min3A_775 = arith.minimumf %min3A_764, %slice3A_767 : vector<4096x128xf32>
    %broadcast_in_dim3A_776 = vector.broadcast %add3A_773 : i32 to vector<4096x128xi32>
    %select_n3A_777 = arith.select %lt3A_774, %broadcast_in_dim3A_776, %select_n3A_766 : vector<4096x128xi1>, vector<4096x128xi32>
    %slice3A_778 = vector.extract_strided_slice %add3A_744 {offsets = [0, 384], sizes = [4096, 128], strides = [1, 1]} : vector<4096x512xf32> to vector<4096x128xf32>
    %mul3A_779 = arith.constant 64 : i32
    %mul3A_780 = arith.muli %arg1, %mul3A_779 : i32
    %add3A_781 = arith.constant 52 : i32
    %add3A_782 = arith.addi %mul3A_780, %add3A_781 : i32
    %add3A_783 = arith.constant 3 : i32
    %add3A_784 = arith.addi %add3A_782, %add3A_783 : i32
    %lt3A_785 = arith.cmpf olt, %slice3A_778, %min3A_775 : vector<4096x128xf32>
    %min3A_786 = arith.minimumf %min3A_775, %slice3A_778 : vector<4096x128xf32>
    %broadcast_in_dim3A_787 = vector.broadcast %add3A_784 : i32 to vector<4096x128xi32>
    %select_n3A_788 = arith.select %lt3A_785, %broadcast_in_dim3A_787, %select_n3A_777 : vector<4096x128xi1>, vector<4096x128xi32>
    %get3A_789 = arith.constant 0 : index
    %get3A_790 = arith.constant 7168 : index
    %get3A_791 = vector.load %arg3[%get3A_789, %get3A_790] : memref<256x8192xbf16, #tpu.memory_space<vmem>>, vector<256x512xbf16>
    %dot_general3A_792 = arith.constant dense<0.000000e+00> : vector<4096x512xf32>
    %dot_general3A_793 = tpu.matmul %get3A_3, %get3A_791, %dot_general3A_792 {dimension_numbers = #tpu.dot_dimension_numbers<[1], [0], [0], [1], [0, 0, 1, 1], [], []>, transpose_lhs_hint = false} : vector<4096x256xbf16>, vector<256x512xbf16>, vector<4096x512xf32> -> vector<4096x512xf32>
    %get3A_794 = arith.constant 0 : index
    %get3A_795 = arith.constant 7168 : index
    %get3A_796 = vector.load %arg5[%get3A_794, %get3A_795] : memref<1x8192xf32, #tpu.memory_space<vmem>>, vector<1x512xf32>
    %add3A_797 = vector.broadcast %get3A_6 : vector<4096x1xf32> to vector<4096x512xf32>
    %add3A_798 = vector.broadcast %get3A_796 : vector<1x512xf32> to vector<4096x512xf32>
    %add3A_799 = arith.addf %add3A_797, %add3A_798 : vector<4096x512xf32>
    %add3A_800 = arith.addf %add3A_799, %dot_general3A_793 : vector<4096x512xf32>
    %slice3A_801 = vector.extract_strided_slice %add3A_800 {offsets = [0, 0], sizes = [4096, 128], strides = [1, 1]} : vector<4096x512xf32> to vector<4096x128xf32>
    %mul3A_802 = arith.constant 64 : i32
    %mul3A_803 = arith.muli %arg1, %mul3A_802 : i32
    %add3A_804 = arith.constant 56 : i32
    %add3A_805 = arith.addi %mul3A_803, %add3A_804 : i32
    %add3A_806 = arith.constant 0 : i32
    %add3A_807 = arith.addi %add3A_805, %add3A_806 : i32
    %lt3A_808 = arith.cmpf olt, %slice3A_801, %min3A_786 : vector<4096x128xf32>
    %min3A_809 = arith.minimumf %min3A_786, %slice3A_801 : vector<4096x128xf32>
    %broadcast_in_dim3A_810 = vector.broadcast %add3A_807 : i32 to vector<4096x128xi32>
    %select_n3A_811 = arith.select %lt3A_808, %broadcast_in_dim3A_810, %select_n3A_788 : vector<4096x128xi1>, vector<4096x128xi32>
    %slice3A_812 = vector.extract_strided_slice %add3A_800 {offsets = [0, 128], sizes = [4096, 128], strides = [1, 1]} : vector<4096x512xf32> to vector<4096x128xf32>
    %mul3A_813 = arith.constant 64 : i32
    %mul3A_814 = arith.muli %arg1, %mul3A_813 : i32
    %add3A_815 = arith.constant 56 : i32
    %add3A_816 = arith.addi %mul3A_814, %add3A_815 : i32
    %add3A_817 = arith.constant 1 : i32
    %add3A_818 = arith.addi %add3A_816, %add3A_817 : i32
    %lt3A_819 = arith.cmpf olt, %slice3A_812, %min3A_809 : vector<4096x128xf32>
    %min3A_820 = arith.minimumf %min3A_809, %slice3A_812 : vector<4096x128xf32>
    %broadcast_in_dim3A_821 = vector.broadcast %add3A_818 : i32 to vector<4096x128xi32>
    %select_n3A_822 = arith.select %lt3A_819, %broadcast_in_dim3A_821, %select_n3A_811 : vector<4096x128xi1>, vector<4096x128xi32>
    %slice3A_823 = vector.extract_strided_slice %add3A_800 {offsets = [0, 256], sizes = [4096, 128], strides = [1, 1]} : vector<4096x512xf32> to vector<4096x128xf32>
    %mul3A_824 = arith.constant 64 : i32
    %mul3A_825 = arith.muli %arg1, %mul3A_824 : i32
    %add3A_826 = arith.constant 56 : i32
    %add3A_827 = arith.addi %mul3A_825, %add3A_826 : i32
    %add3A_828 = arith.constant 2 : i32
    %add3A_829 = arith.addi %add3A_827, %add3A_828 : i32
    %lt3A_830 = arith.cmpf olt, %slice3A_823, %min3A_820 : vector<4096x128xf32>
    %min3A_831 = arith.minimumf %min3A_820, %slice3A_823 : vector<4096x128xf32>
    %broadcast_in_dim3A_832 = vector.broadcast %add3A_829 : i32 to vector<4096x128xi32>
    %select_n3A_833 = arith.select %lt3A_830, %broadcast_in_dim3A_832, %select_n3A_822 : vector<4096x128xi1>, vector<4096x128xi32>
    %slice3A_834 = vector.extract_strided_slice %add3A_800 {offsets = [0, 384], sizes = [4096, 128], strides = [1, 1]} : vector<4096x512xf32> to vector<4096x128xf32>
    %mul3A_835 = arith.constant 64 : i32
    %mul3A_836 = arith.muli %arg1, %mul3A_835 : i32
    %add3A_837 = arith.constant 56 : i32
    %add3A_838 = arith.addi %mul3A_836, %add3A_837 : i32
    %add3A_839 = arith.constant 3 : i32
    %add3A_840 = arith.addi %add3A_838, %add3A_839 : i32
    %lt3A_841 = arith.cmpf olt, %slice3A_834, %min3A_831 : vector<4096x128xf32>
    %min3A_842 = arith.minimumf %min3A_831, %slice3A_834 : vector<4096x128xf32>
    %broadcast_in_dim3A_843 = vector.broadcast %add3A_840 : i32 to vector<4096x128xi32>
    %select_n3A_844 = arith.select %lt3A_841, %broadcast_in_dim3A_843, %select_n3A_833 : vector<4096x128xi1>, vector<4096x128xi32>
    %get3A_845 = arith.constant 0 : index
    %get3A_846 = arith.constant 7680 : index
    %get3A_847 = vector.load %arg3[%get3A_845, %get3A_846] : memref<256x8192xbf16, #tpu.memory_space<vmem>>, vector<256x512xbf16>
    %dot_general3A_848 = arith.constant dense<0.000000e+00> : vector<4096x512xf32>
    %dot_general3A_849 = tpu.matmul %get3A_3, %get3A_847, %dot_general3A_848 {dimension_numbers = #tpu.dot_dimension_numbers<[1], [0], [0], [1], [0, 0, 1, 1], [], []>, transpose_lhs_hint = false} : vector<4096x256xbf16>, vector<256x512xbf16>, vector<4096x512xf32> -> vector<4096x512xf32>
    %get3A_850 = arith.constant 0 : index
    %get3A_851 = arith.constant 7680 : index
    %get3A_852 = vector.load %arg5[%get3A_850, %get3A_851] : memref<1x8192xf32, #tpu.memory_space<vmem>>, vector<1x512xf32>
    %add3A_853 = vector.broadcast %get3A_6 : vector<4096x1xf32> to vector<4096x512xf32>
    %add3A_854 = vector.broadcast %get3A_852 : vector<1x512xf32> to vector<4096x512xf32>
    %add3A_855 = arith.addf %add3A_853, %add3A_854 : vector<4096x512xf32>
    %add3A_856 = arith.addf %add3A_855, %dot_general3A_849 : vector<4096x512xf32>
    %slice3A_857 = vector.extract_strided_slice %add3A_856 {offsets = [0, 0], sizes = [4096, 128], strides = [1, 1]} : vector<4096x512xf32> to vector<4096x128xf32>
    %mul3A_858 = arith.constant 64 : i32
    %mul3A_859 = arith.muli %arg1, %mul3A_858 : i32
    %add3A_860 = arith.constant 60 : i32
    %add3A_861 = arith.addi %mul3A_859, %add3A_860 : i32
    %add3A_862 = arith.constant 0 : i32
    %add3A_863 = arith.addi %add3A_861, %add3A_862 : i32
    %lt3A_864 = arith.cmpf olt, %slice3A_857, %min3A_842 : vector<4096x128xf32>
    %min3A_865 = arith.minimumf %min3A_842, %slice3A_857 : vector<4096x128xf32>
    %broadcast_in_dim3A_866 = vector.broadcast %add3A_863 : i32 to vector<4096x128xi32>
    %select_n3A_867 = arith.select %lt3A_864, %broadcast_in_dim3A_866, %select_n3A_844 : vector<4096x128xi1>, vector<4096x128xi32>
    %slice3A_868 = vector.extract_strided_slice %add3A_856 {offsets = [0, 128], sizes = [4096, 128], strides = [1, 1]} : vector<4096x512xf32> to vector<4096x128xf32>
    %mul3A_869 = arith.constant 64 : i32
    %mul3A_870 = arith.muli %arg1, %mul3A_869 : i32
    %add3A_871 = arith.constant 60 : i32
    %add3A_872 = arith.addi %mul3A_870, %add3A_871 : i32
    %add3A_873 = arith.constant 1 : i32
    %add3A_874 = arith.addi %add3A_872, %add3A_873 : i32
    %lt3A_875 = arith.cmpf olt, %slice3A_868, %min3A_865 : vector<4096x128xf32>
    %min3A_876 = arith.minimumf %min3A_865, %slice3A_868 : vector<4096x128xf32>
    %broadcast_in_dim3A_877 = vector.broadcast %add3A_874 : i32 to vector<4096x128xi32>
    %select_n3A_878 = arith.select %lt3A_875, %broadcast_in_dim3A_877, %select_n3A_867 : vector<4096x128xi1>, vector<4096x128xi32>
    %slice3A_879 = vector.extract_strided_slice %add3A_856 {offsets = [0, 256], sizes = [4096, 128], strides = [1, 1]} : vector<4096x512xf32> to vector<4096x128xf32>
    %mul3A_880 = arith.constant 64 : i32
    %mul3A_881 = arith.muli %arg1, %mul3A_880 : i32
    %add3A_882 = arith.constant 60 : i32
    %add3A_883 = arith.addi %mul3A_881, %add3A_882 : i32
    %add3A_884 = arith.constant 2 : i32
    %add3A_885 = arith.addi %add3A_883, %add3A_884 : i32
    %lt3A_886 = arith.cmpf olt, %slice3A_879, %min3A_876 : vector<4096x128xf32>
    %min3A_887 = arith.minimumf %min3A_876, %slice3A_879 : vector<4096x128xf32>
    %broadcast_in_dim3A_888 = vector.broadcast %add3A_885 : i32 to vector<4096x128xi32>
    %select_n3A_889 = arith.select %lt3A_886, %broadcast_in_dim3A_888, %select_n3A_878 : vector<4096x128xi1>, vector<4096x128xi32>
    %slice3A_890 = vector.extract_strided_slice %add3A_856 {offsets = [0, 384], sizes = [4096, 128], strides = [1, 1]} : vector<4096x512xf32> to vector<4096x128xf32>
    %mul3A_891 = arith.constant 64 : i32
    %mul3A_892 = arith.muli %arg1, %mul3A_891 : i32
    %add3A_893 = arith.constant 60 : i32
    %add3A_894 = arith.addi %mul3A_892, %add3A_893 : i32
    %add3A_895 = arith.constant 3 : i32
    %add3A_896 = arith.addi %add3A_894, %add3A_895 : i32
    %lt3A_897 = arith.cmpf olt, %slice3A_890, %min3A_887 : vector<4096x128xf32>
    %min3A_898 = arith.minimumf %min3A_887, %slice3A_890 : vector<4096x128xf32>
    %broadcast_in_dim3A_899 = vector.broadcast %add3A_896 : i32 to vector<4096x128xi32>
    %select_n3A_900 = arith.select %lt3A_897, %broadcast_in_dim3A_899, %select_n3A_889 : vector<4096x128xi1>, vector<4096x128xi32>
    %swap3A = arith.constant 0 : index
    %swap3A_901 = arith.constant 0 : index
    %swap3A_902 = vector.load %arg8[%swap3A, %swap3A_901] : memref<4096x128xf32, #tpu.memory_space<vmem>>, vector<4096x128xf32>
    tpu.vector_store %arg8[%swap3A, %swap3A_901], %min3A_898 {strides = array<i32>} : memref<4096x128xf32, #tpu.memory_space<vmem>>, vector<4096x128xf32>,
    %swap3A_903 = arith.constant 0 : index
    %swap3A_904 = arith.constant 0 : index
    %swap3A_905 = vector.load %arg9[%swap3A_903, %swap3A_904] : memref<4096x128xi32, #tpu.memory_space<vmem>>, vector<4096x128xi32>
    tpu.vector_store %arg9[%swap3A_903, %swap3A_904], %select_n3A_900 {strides = array<i32>} : memref<4096x128xi32, #tpu.memory_space<vmem>>, vector<4096x128xi32>,
    %eq3A_906 = arith.constant 0 : i32
    %eq3A_907 = arith.cmpi eq, %arg1, %eq3A_906 : i32
    %convert_element_type3A_908 = arith.extui %eq3A_907 : i1 to i32
    %cond3A_909 = arith.constant 0 : i32
    %cond3A_910 = arith.cmpi ne, %convert_element_type3A_908, %cond3A_909 : i32
    scf.if %cond3A_910 {
      %get3A_911 = arith.constant 0 : index
      %get3A_912 = arith.constant 0 : index
      %get3A_913 = vector.load %arg8[%get3A_911, %get3A_912] : memref<4096x128xf32, #tpu.memory_space<vmem>>, vector<4096x128xf32>
      %get3A_914 = arith.constant 0 : index
      %get3A_915 = arith.constant 0 : index
      %get3A_916 = vector.load %arg9[%get3A_914, %get3A_915] : memref<4096x128xi32, #tpu.memory_space<vmem>>, vector<4096x128xi32>
      %reduce_min3A = arith.constant dense<0x7F800000> : vector<4096xf32>
      %reduce_min3A_917 = vector.multi_reduction <minimumf>, %get3A_913, %reduce_min3A [1] : vector<4096x128xf32> to vector<4096xf32>
      %broadcast_in_dim3A_918 = vector.shape_cast %reduce_min3A_917 : vector<4096xf32> to vector<4096x1xf32>
      %iota3A = tpu.iota {dimensions = array<i32: 1>} : vector<4096x128xi32>
      %mul3A_919 = arith.constant 128 : i32
      %mul3A_920 = vector.broadcast %mul3A_919 : i32 to vector<4096x128xi32>
      %mul3A_921 = arith.muli %get3A_916, %mul3A_920 : vector<4096x128xi32>
      %add3A_922 = arith.addi %mul3A_921, %iota3A : vector<4096x128xi32>
      %eq3A_923 = vector.broadcast %broadcast_in_dim3A_918 : vector<4096x1xf32> to vector<4096x128xf32>
      %eq3A_924 = arith.cmpf oeq, %get3A_913, %eq3A_923 : vector<4096x128xf32>
      %jit3A = arith.constant 1073741824 : i32
      %broadcast_in_dim3A_925 = vector.broadcast %jit3A : i32 to vector<4096x128xi32>
      %select_n3A_926 = arith.select %eq3A_924, %add3A_922, %broadcast_in_dim3A_925 : vector<4096x128xi1>, vector<4096x128xi32>
      %reduce_min3A_927 = arith.constant dense<2147483647> : vector<4096xi32>
      %reduce_min3A_928 = vector.multi_reduction <minsi>, %select_n3A_926, %reduce_min3A_927 [1] : vector<4096x128xi32> to vector<4096xi32>
      %broadcast_in_dim3A_929 = vector.shape_cast %reduce_min3A_928 : vector<4096xi32> to vector<4096x1xi32>
      %swap3A_930 = arith.constant 0 : index
      %swap3A_931 = arith.constant 0 : index
      %swap3A_932 = vector.load %arg6[%swap3A_930, %swap3A_931] : memref<4096x1xi32, #tpu.memory_space<vmem>>, vector<4096x1xi32>
      tpu.vector_store %arg6[%swap3A_930, %swap3A_931], %broadcast_in_dim3A_929 {strides = array<i32>} : memref<4096x1xi32, #tpu.memory_space<vmem>>, vector<4096x1xi32>,
      %reduce_sum3A = vector.shape_cast %broadcast_in_dim3A_918 : vector<4096x1xf32> to vector<1x4096x1xf32>
      %reduce_sum3A_933 = arith.constant dense<0.000000e+00> : vector<1xf32>
      %reduce_sum3A_934 = vector.multi_reduction <add>, %reduce_sum3A, %reduce_sum3A_933 [1, 2] : vector<1x4096x1xf32> to vector<1xf32>
      %reduce_sum3A_935 = vector.shape_cast %reduce_sum3A_934 : vector<1xf32> to vector<1x1x1xf32>
      %reduce_sum3A_936 = vector.extract %reduce_sum3A_935[0, 0, 0] : f32 from vector<1x1x1xf32>
      %reshape3A = vector.broadcast %reduce_sum3A_936 : f32 to vector<1x1xf32>
      %eq3A_937 = arith.constant 0 : i32
      %eq3A_938 = arith.cmpi eq, %arg0, %eq3A_937 : i32
      %convert_element_type3A_939 = arith.extui %eq3A_938 : i1 to i32
      %cond3A_940 = arith.constant 0 : i32
      %cond3A_941 = arith.cmpi ne, %convert_element_type3A_939, %cond3A_940 : i32
      scf.if %cond3A_941 {
        %swap3A_946 = arith.constant 0 : index
        %swap3A_947 = arith.constant 0 : index
        %swap3A_948 = vector.load %arg7[%swap3A_946, %swap3A_947] : memref<1x1xf32, #tpu.memory_space<vmem>>, vector<1x1xf32>
        tpu.vector_store %arg7[%swap3A_946, %swap3A_947], %reshape3A {strides = array<i32>} : memref<1x1xf32, #tpu.memory_space<vmem>>, vector<1x1xf32>,
      } else {
      }
      %gt3A = arith.constant 0 : i32
      %gt3A_942 = arith.cmpi sgt, %arg0, %gt3A : i32
      %convert_element_type3A_943 = arith.extui %gt3A_942 : i1 to i32
      %cond3A_944 = arith.constant 0 : i32
      %cond3A_945 = arith.cmpi ne, %convert_element_type3A_943, %cond3A_944 : i32
      scf.if %cond3A_945 {
        %get3A_946 = arith.constant 0 : index
        %get3A_947 = arith.constant 0 : index
        %get3A_948 = vector.load %arg7[%get3A_946, %get3A_947] : memref<1x1xf32, #tpu.memory_space<vmem>>, vector<1x1xf32>
        %add3A_949 = arith.addf %get3A_948, %reshape3A : vector<1x1xf32>
        %swap3A_950 = arith.constant 0 : index
        %swap3A_951 = arith.constant 0 : index
        %swap3A_952 = vector.load %arg7[%swap3A_950, %swap3A_951] : memref<1x1xf32, #tpu.memory_space<vmem>>, vector<1x1xf32>
        tpu.vector_store %arg7[%swap3A_950, %swap3A_951], %add3A_949 {strides = array<i32>} : memref<1x1xf32, #tpu.memory_space<vmem>>, vector<1x1xf32>,
      } else {
      }
    } else {
    }
    return
  }
  func.func @transform_0(%arg0: i32, %arg1: i32) -> (i32, i32) {
    %c0_i32 = arith.constant 0 : i32
    %c0_i32_0 = arith.constant 0 : i32
    return %arg0, %c0_i32 : i32, i32
  }
  func.func @transform_1(%arg0: i32, %arg1: i32) -> (i32, i32) {
    %c0_i32 = arith.constant 0 : i32
    %c0_i32_0 = arith.constant 0 : i32
    return %c0_i32, %arg1 : i32, i32
  }
  func.func @transform_2(%arg0: i32, %arg1: i32) -> (i32, i32) {
    %c0_i32 = arith.constant 0 : i32
    %c0_i32_0 = arith.constant 0 : i32
    return %arg0, %c0_i32 : i32, i32
  }
  func.func @transform_3(%arg0: i32, %arg1: i32) -> (i32, i32) {
    %c0_i32 = arith.constant 0 : i32
    %c0_i32_0 = arith.constant 0 : i32
    return %c0_i32, %arg1 : i32, i32
  }
  func.func @transform_4(%arg0: i32, %arg1: i32) -> (i32, i32) {
    %c0_i32 = arith.constant 0 : i32
    %c0_i32_0 = arith.constant 0 : i32
    return %arg0, %c0_i32 : i32, i32
  }
  func.func @transform_5(%arg0: i32, %arg1: i32) -> (i32, i32) {
    %c0_i32 = arith.constant 0 : i32
    %c0_i32_0 = arith.constant 0 : i32
    %c0_i32_1 = arith.constant 0 : i32
    return %c0_i32, %c0_i32_0 : i32, i32
  }
}

</mosaic_0001>

<sc_bundles>
// kernel: kernel.4.cloned.1.call-start
scs
__scs_entry_jumppad:
0x0: {  	(pc) =	sbr.rel $0x88, $3  }
0x1: {  	(tag) =	ssettag $0x0;
	lr =	simm.s32 $0x1  }
0x2: {  	[smem:$0x3F9F] =	sst lr;
	_ =	strace $0xD0000000  }
0x3: {  	_ = 	snop  }
0x4: {  	_ = 	snop  }
0x5: {  	_ = 	snop  }
0x6: {  	_ = 	snop  }
0x7: {  	_ = 	snop  }
__scs_overlays_trampoline_lowered:
0x8: {  	[smem:$0x3FAE] =	sst s0  }
0x9: {  	[smem:$0x3FAF] =	sst s1  }
0xa: {  	[smem:$0x3FB0] =	sst s2  }
0xb: {  	[smem:$0x3FB1] =	sst s3  }
0xc: {  	[smem:$0x3FB2] =	sst s4  }
0xd: {  	[smem:$0x3FB3] =	sst s5  }
0xe: {  	[smem:$0x3FB4] =	sst s6  }
0xf: {  	[smem:$0x3FB5] =	sst s7  }
0x10: {  	[smem:$0x3FB6] =	sst s8  }
0x11: {  	[smem:$0x3FB7] =	sst s9;
	s0 =	simm.s32 @!p0 $0x0  }
0x12: {  	s1 =	sld [smem:$0x3F9D];
	s0 =	simm.s32 @p0 $0x1  }
0x13: {  	[smem:$0x3FB8] =	sst s0;
	s0 =	simm.s32 @!p1 $0x0  }
0x14: {  	s2 =	sld [smem:$0x3F9C];
	s0 =	simm.s32 @p1 $0x1  }
0x15: {  	[smem:$0x3FB9] =	sst s0;
	s0 =	simm.s32 @!p2 $0x0  }
0x16: {  	s3 =	sld [smem:$0x3FDB];
	s0 =	simm.s32 @p2 $0x1  }
0x17: {  	s4 =	simm.s32 $0x1BF5;
	[smem:$0x3FBB] =	sst s0  }
0x18: {  	s0 =	sld [smem:$0x3F9E];
	_ =	swait.ge [sflag:s4], $0x0  }
0x19: {  	s7 =	sld [smem:$0x3F9F]  }
0x1a: {  	s8 =	sadd.s32 $0xFFFFE003, lr  }
0x1b: {  	s9 =	sadd.s32 $0xFFFFFEF7, lr;
	s5 =	simm.s32 $0xFFFFFFFF;
	p2 =	slt.u32 s8, $0xFFFFF086  }
0x1c: {  	p1 =	slt.u32 s9, $0xF7A;
	s5 =	simm.s32 @!p2 $0x0  }
0x1d: {  	s5 =	simm.s32 @p1 $0x1;
	p0 =	seq.s32 s7, s2  }
0x1e: {  	s7 =	smul.u32 @!p0 $0xF7A, s2;
	p2 =	seq.s32 @!p0 s5, $0x0  }
0x1f: {  	s9 =	smul.u32 $0xF7A, s1;
	s8 =	simm.s32 @!p0 $0x1BF5;
	p2 =	por !p2, p0  }
0x20: {  	[sflag:s8] =	ssyncset.s32 @!p0 $0xFFFFF086;
	s6 =	sadd.s32 @!p0 s3, s7;
	s7 =	simm.s32 @!p0 $0x108  }
0x21: {  	s3 =	sadd.s32 s3, s9;
	s6 =	sadd.s32 @!p0 $0x88, s6;
	s7 =	simm.s32 @p2 $0x1082  }
0x22: {  	[simem:s7], [sflag:s8] =	dma.local @!p0 [hbm:s6], $0xF7A  }
0x23: {  	s9 =	sor.u32 $0xD0000000, s2;
	s6 =	simm.s32 $0x108;
	_ =	swait.ge @!p0 [sflag:s8], $0x0  }
0x24: {  	s3 =	sadd.s32 $0x88, s3;
	s6 =	simm.s32 @!p1 $0x1082;
	[sflag:s4] =	ssyncset.s32 $0xFFFFF086  }
0x25: {  	[simem:s6], [sflag:s4] =	dma.local [hbm:s3], $0xF7A  }
0x26: {  	[smem:$0x3F9F] =	sst s1;
	(tag) =	ssettag s2;
	_ =	strace s9  }
0x27: {  	s1 =	sld [smem:$0x3FAF]  }
0x28: {  	s2 =	sld [smem:$0x3FB0]  }
0x29: {  	s4 =	sld [smem:$0x3FB2]  }
0x2a: {  	p0 =	seq.s32 s5, $0x0;
	s5 =	sld [smem:$0x3FB3]  }
0x2b: {  	s6 =	sld [smem:$0x3FB4]  }
0x2c: {  	s7 =	sld [smem:$0x3FB5]  }
0x2d: {  	s3 =	simm.s32 $0x108;
	s8 =	sld [smem:$0x3FB6]  }
0x2e: {  	s3 =	simm.s32 @!p0 $0x1082;
	s9 =	sld [smem:$0x3FB7]  }
0x2f: {  	lr =	sadd.s32 s0, s3;
	s0 =	sld [smem:$0x3FAE]  }
0x30: {  	s3 =	sld [smem:$0x3FB1]  }
0x31: {  	[smem:$0x3FBA] =	sst s10  }
0x32: {  	s10 =	sld [smem:$0x3FB8];
	_ =	sdelay $0x3  }
0x33: {  	p0 =	seq.s32 s10, $0x1;
	s10 =	sld [smem:$0x3FBA];
	_ =	sdelay $0x3  }
0x34: {  	[smem:$0x3FBA] =	sst s10  }
0x35: {  	s10 =	sld [smem:$0x3FB9];
	_ =	sdelay $0x3  }
0x36: {  	p1 =	seq.s32 s10, $0x1;
	s10 =	sld [smem:$0x3FBA];
	_ =	sdelay $0x3  }
0x37: {  	[smem:$0x3FBA] =	sst s10  }
0x38: {  	s10 =	sld [smem:$0x3FBB]  }
0x39: {  	_ = 	snop;
	(pc) =	sbr.ind lr, $3  }
0x3a: {  	_ = 	snop  }
0x3b: {  	_ = 	snop  }
0x3c: {  	p2 =	seq.s32 s10, $0x1;
	s10 =	sld [smem:$0x3FBA]  }
0x3d: {  	_ =	shalt  }
0x3e: {  	_ =	shalt  }
0x3f: {  	_ =	shalt  }
0x40: {  	_ =	shalt  }
0x41: {  	_ =	shalt  }
0x42: {  	_ =	shalt  }
0x43: {  	_ =	shalt  }
0x44: {  	_ =	shalt  }
0x45: {  	_ =	shalt  }
0x46: {  	_ =	shalt  }
0x47: {  	_ =	shalt  }
0x48: {  	_ =	shalt  }
0x49: {  	_ =	shalt  }
0x4a: {  	_ =	shalt  }
0x4b: {  	_ =	shalt  }
0x4c: {  	_ =	shalt  }
0x4d: {  	_ =	shalt  }
0x4e: {  	_ =	shalt  }
0x4f: {  	_ =	shalt  }
0x50: {  	_ =	shalt  }
0x51: {  	_ =	shalt  }
0x52: {  	_ =	shalt  }
0x53: {  	_ =	shalt  }
0x54: {  	_ =	shalt  }
0x55: {  	_ =	shalt  }
0x56: {  	_ =	shalt  }
0x57: {  	_ =	shalt  }
0x58: {  	_ =	shalt  }
0x59: {  	_ =	shalt  }
0x5a: {  	_ =	shalt  }
0x5b: {  	_ =	shalt  }
0x5c: {  	_ =	shalt  }
0x5d: {  	_ =	shalt  }
0x5e: {  	_ =	shalt  }
0x5f: {  	_ =	shalt  }
0x60: {  	_ =	shalt  }
0x61: {  	_ =	shalt  }
0x62: {  	_ =	shalt  }
0x63: {  	_ =	shalt  }
0x64: {  	_ =	shalt  }
0x65: {  	_ =	shalt  }
0x66: {  	_ =	shalt  }
0x67: {  	_ =	shalt  }
0x68: {  	_ =	shalt  }
0x69: {  	_ =	shalt  }
0x6a: {  	_ =	shalt  }
0x6b: {  	_ =	shalt  }
0x6c: {  	_ =	shalt  }
0x6d: {  	_ =	shalt  }
0x6e: {  	_ =	shalt  }
0x6f: {  	_ =	shalt  }
0x70: {  	_ =	shalt  }
0x71: {  	_ =	shalt  }
0x72: {  	_ =	shalt  }
0x73: {  	_ =	shalt  }
0x74: {  	_ =	shalt  }
0x75: {  	_ =	shalt  }
0x76: {  	_ =	shalt  }
0x77: {  	_ =	shalt  }
0x78: {  	_ =	shalt  }
0x79: {  	_ =	shalt  }
0x7a: {  	_ =	shalt  }
0x7b: {  	_ =	shalt  }
0x7c: {  	_ =	shalt  }
0x7d: {  	_ =	shalt  }
0x7e: {  	_ =	shalt  }
0x7f: {  	_ =	shalt  }
0x80: {  	_ =	shalt  }
0x81: {  	_ =	shalt  }
0x82: {  	_ =	shalt  }
0x83: {  	_ =	shalt  }
0x84: {  	_ =	shalt  }
0x85: {  	_ =	shalt  }
0x86: {  	_ =	shalt  }
0x87: {  	_ =	shalt  }
.Lfunc_end0:
.L_simem_size_0:
called_computation_lowered:
.L_overlay_start_0:
0x88: {  	s2 =	sld [smem:$0x3FD9]  }
0x89: {  	s3 =	sld [smem:$0x3FFE];
	_ =	sdelay $0x1  }
0x8a: {  	s1 =	srdreg.scid  }
0x8b: {  	s0 =	sand.u32 $0x1, s1  }
0x8c: {  	s14 =	sshll.u32 s0, $0xA;
	s2 =	sadd.s32 s3, s2  }
0x8d: {  	s2 =	sadd.s32 s2, s14  }
0x8e: {  	[smem:$0x3FC6] =	sst s2  }
0x8f: {  	_ = 	snop  }
0x90: {  	s2 =	sld [smem:$0x3FD0];
	_ =	sdelay $0x2  }
0x91: {  	s4 =	simm.s32 $0xA;
	s5 =	simm.s32 $0x10;
	s15 =	sld [smem:$0x3FC8]  }
0x92: {  	[smem:s5], [sflag:s4] =	dma.local [hbm:s2], $0x1  }
0x93: {  	_ =	swait.eq [sflag:s4], $0x1  }
0x94: {  	[sflag:s4] =	ssyncset.done $0x0  }
0x95: {  	[sflag:s4] =	ssyncadd.s32 $0xFFFFFFFF  }
0x96: {  	s16 =	sld [smem:$0x10];
	(tm) =	ssettm $0x1  }
0x97: {  	s17 =	sld [smem:$0x3FFB];
	_ =	sdelay $0x3  }
0x98: {  	_ =	strace s17  }
0x99: {  	s4 =	sld [smem:$0x3FFC];
	_ =	sdelay $0x3  }
0x9a: {  	_ =	strace s4  }
0x9b: {  	s4 =	sld [smem:$0x3FFD];
	_ =	sdelay $0x3  }
0x9c: {  	_ =	strace s4  }
0x9d: {  	_ =	strace $0x8FFFFFFF  }
0x9e: {  	s18 =	sld [smem:$0x3FDB];
	_ =	sdelay $0x1  }
0x9f: {  	s19 =	simm.s32 $_scs_section_size  }
0xa0: {  	s6 =	simm.s32 $_size__tile_overlayer_lowered;
	s7 =	simm.s32 $_tile_overlayer_lowered  }
0xa1: {  	s22 =	simm.s32 $0x1BFF;
	s21 =	sshll.u32 s7, $0x1;
	s4 =	sadd.s32 s19, s18  }
0xa2: {  	s8 =	simm.s32 $0x0;
	s20 =	sshll.u32 s6, $0x1;
	s6 =	sadd.s32 s21, s4  }
0xa3: {  	[timem:s8], [sflag:s22] =	dma.local [hbm:s6], s20  }
0xa4: {  	_ =	swait.ge [sflag:s22], s20  }
0xa5: {  	s5 =	ssub.s32 $0x0, s20;
	[sflag:s22] =	ssyncset.done $0x0  }
0xa6: {  	[sflag:s22] =	ssyncadd.s32 s5;
	_ =	sdelay $0x1  }
0xa7: {  	s23 =	simm.s32 $0x1B8B  }
0xa8: {  	_ =	swait.ge [sflag:s23], $0x1  }
0xa9: {  	[sflag:s23] =	ssyncset.done $0x0  }
0xaa: {  	s25 =	simm.s32 $0x1B8E;
	s24 =	sld [smem:$0x3FFE];
	[sflag:s23] =	ssyncadd.s32 $0xFFFFFFFF  }
0xab: {  	s26 =	simm.s32 $execute0_lowered;
	[smem:$0x3FD2] =	sst s25  }
0xac: {  	s6 =	sshll.u32 s26, $0x1;
	_ =	strace $0x80000046;
	[dreg:$0x1] =	wrdreg $0xFFFFFFFF  }
0xad: {  	s28 =	simm.s32 $_size_execute0_lowered;
	s4 =	sadd.s32 s4, s6;
	[dreg:$0x0] =	wrdreg $0x0  }
0xae: {  	s6 =	sshll.u32 s28, $0x1;
	[dreg:$0x2] =	wrdreg s4  }
0xaf: {  	[dreg:$0x3] =	wrdreg s6  }
0xb0: {  	[dreg:$0x4] =	wrdreg $0xC0  }
0xb1: {  	_ =	task [dreg:s8], $0x5FFFF  }
0xb2: {  	[dreg:$0x1] =	wrdreg $0xFFFFFFFF  }
0xb3: {  	[dreg:$0x0] =	wrdreg $0x60  }
0xb4: {  	[dreg:$0x2] =	wrdreg s15  }
0xb5: {  	[dreg:$0x3] =	wrdreg s24  }
0xb6: {  	[dreg:$0x4] =	wrdreg s16  }
0xb7: {  	[dreg:$0x5] =	wrdreg $0x9  }
0xb8: {  	_ =	task.clear_ibuf [dreg:s8], $0x6FFFF;
	_ =	strace $0x90000046  }
0xb9: {  	s29 =	simm.s32 $0x9;
	_ =	strace $0x80000048  }
0xba: {  	_ =	swait.ge [sflag:s29], $0x1  }
0xbb: {  	[sflag:s29] =	ssyncadd.s32 $0xFFFFFFFF  }
0xbc: {  	_ =	strace $0x90000048  }
0xbd: {  	_ =	sfence  }
0xbe: {  	s30 =	sld [smem:$0x0];
	_ =	sdelay $0x2  }
0xbf: {  	s31 =	sshll.u32 s1, $0xD;
	s1 =	sshrl.u32 s1, $0x2  }
0xc0: {  	s3 =	sand.u32 $0x4000, s31;
	s1 =	sadd.s32 s1, s30  }
0xc1: {  	s0 =	sor.u32 s3, s0;
	s1 =	sshll.u32 s1, $0x11  }
0xc2: {  	s0 =	sor.u32 s1, s0  }
0xc3: {  	s0 =	sadd.s32 $0x8F2B, s0  }
0xc4: {  	[sflag:s0] =	ssyncadd.remote.s32 $0x1  }
0xc5: {  	_ =	sfence.sel $0xFFFF  }
0xc6: {  	[dreg:$0x0] =	wrdreg $0xFFFFFFFF;
	(pc) =	sbr.abs _section_cstart, $3  }
0xc7: {  	[dreg:$0x1] =	wrdreg $0xFFFFFFFF  }
0xc8: {  	_ =	task.clear_ibuf [dreg:s8], $0x2FFFF;
	_ =	strace $0x9FFFFFFF  }
0xc9: {  	(tm) =	ssettm $0x7FFFFFFF  }
tec
execute0_lowered:
.L_overlay_start_1:
0x0: {  	(tag) =	ssettag $0x1  }
0x1: {  	s1 =	rddreg [dreg:$0x0]  }
0x2: {  	s2 =	srdreg.scid;
	s4 =	rddreg [dreg:$0x1]  }
0x3: {  	s0 =	stileid.u32;
	s6 =	rddreg [dreg:$0x2];
	s19 =	simm.s32 $0x900  }
0x4: {  	s20 =	simm.s32 $0x1100;
	s21 =	simm.s32 $0x1900;
	s23 =	simm.s32 $0x2100  }
0x5: {  	s24 =	simm.s32 $0x2900;
	s25 =	simm.s32 $0x3100;
	s26 =	simm.s32 $0x3900  }
0x6: {  	s8 =	simm.s32 $0x4900;
	s9 =	simm.s32 $0x5100;
	s10 =	simm.s32 $0x5900  }
0x7: {  	s11 =	simm.s32 $0x6100;
	s12 =	simm.s32 $0x6900;
	s13 =	simm.s32 $0x7100  }
0x8: {  	s14 =	simm.s32 $0x7900;
	s15 =	simm.s32 $0x8100;
	s2 =	sand.u32 $0x1, s2  }
0x9: {  	s16 =	simm.s32 $0x8900;
	s3 =	sshll.u32 s0, $0x9;
	s5 =	sshll.u32 s2, $0x8  }
0xa: {  	s17 =	simm.s32 $0x9100;
	s5 =	sor.u32 s5, s3;
	s3 =	simm.s32 $0x0  }
0xb: {  	s28 =	simm.s32 $0xE100;
	s29 =	simm.s32 $0xE900;
	[smem:$0x7FF] =	sst s3  }
0xc: {  	s30 =	simm.s32 $0xF100;
	_ =	strace $0x80000047;
	[dreg:$0x6] =	wrdreg s19  }
0xd: {  	s31 =	simm.s32 $0xF900;
	s2 =	ssub.s32 $0x2, s2;
	[dreg:$0x7] =	wrdreg s20  }
0xe: {  	s22 =	sshrl.u32 s2, $0x1;
	s7 =	sshrl.u32 s5, $0x3;
	[dreg:$0x8] =	wrdreg s21  }
0xf: {  	s5 =	sshll.u32 s5, $0x5;
	s2 =	ssub.s32 s2, s22;
	[dreg:$0x9] =	wrdreg s23  }
0x10: {  	s22 =	simm.s32 $0xB900;
	s4 =	sadd.s32 s7, s4;
	[dreg:$0xa] =	wrdreg s24  }
0x11: {  	s18 =	sadd.s32 s6, s5;
	s5 =	simm.s32 $0x2;
	[dreg:$0xb] =	wrdreg s25  }
0x12: {  	s6 =	simm.s32 $0x100;
	[dreg:$0xc] =	wrdreg s26;
	s19 =	simm.s32 $0xA100  }
0x13: {  	s20 =	simm.s32 $0xA900;
	s21 =	simm.s32 $0xB100;
	s23 =	simm.s32 $0xC100  }
0x14: {  	v2 =	vlaneseq.u32;
	s24 =	simm.s32 $0xC900;
	s25 =	simm.s32 $0xD100;
	s26 =	simm.s32 $0xD900  }
0x15: {  	vm0 =	vmmov $0xffff;
	v1 =	vshrl.u32 v2, $0x3;
	s4 =	sadd.s32 $0x400, s4;
	[dreg:$0x5] =	wrdreg s18;
	s18 =	simm.s32 $0x9900  }
0x16: {  	v0 =	vand.u32 $0x7, v2;
	v2 =	vor.u32 $0x8, v2;
	v1 =	vmul.u32 $0x8, v1;
	[dreg:$0x4] =	wrdreg s4;
	s4 =	smax.u32 s2, $0x1;
	s2 =	simm.s32 $0x1  }
.LBB2_1:
0x17: {  	s0 =	rddreg [dreg:$0x4]  }
0x18: {  	[tilespmem:s3], [sflag:$0x2] =	stream.linear.gather [hbm4b:s0+s3], $0x100, $0x38;
	[tilespmem:$0x10100] =	vst v63  }
0x19: {  	_ =	swait.ge [sflag:s5], $0x100  }
0x1a: {  	[sflag:s5] =	ssyncset.done $0x0  }
0x1b: {  	[sflag:s5] =	ssyncadd.s32 $0xFFFFFF00  }
0x1c: {  	v3 =	vld [tilespmem:$0x0];
	_ =	sdelay $0x4  }
0x1d: {  	v4 =	vshll.u32 v3, $0x1  }
0x1e: {  	v3 =	vand.u32 $0x7, v3;
	v4 =	vand.u32 $0xFFFFFFF0, v4  }
0x1f: {  	v3 =	vor.u32 v3, v4  }
0x20: {  	v4 =	vperm.xlane v3, v0;
	_ =	sdelay $0x1  }
0x21: {  	v3 =	vperm.xlane v3, v2;
	v4 =	vadd.s32 v1, v4;
	_ =	sdelay $0x1  }
0x22: {  	v3 =	vadd.s32 v1, v3;
	_ =	sdelay $0x2  }
0x23: {  	[tilespmem:s6], [sflag:$0x1] =	stream.indirect_vreg.gather [hbm4b:s1+s3], $0x80, v4, vm0, $0xb8;
	[tilespmem:$0x10100] =	vst v63  }
0x24: {  	s7 =	rddreg [dreg:$0x6]  }
0x25: {  	[tilespmem:s7], [sflag:$0x1] =	stream.indirect_vreg.gather [hbm4b:s1+s3], $0x80, v3, vm0, $0xb8;
	[tilespmem:$0x10100] =	vst v63  }
0x26: {  	v3 =	vld [tilespmem:$0x10];
	_ =	sdelay $0x4  }
0x27: {  	v49 =	vshll.u32 v3, $0x1  }
0x28: {  	v3 =	vand.u32 $0x7, v3;
	v4 =	vand.u32 $0xFFFFFFF0, v49  }
0x29: {  	v3 =	vor.u32 v3, v4  }
0x2a: {  	v4 =	vperm.xlane v3, v0;
	_ =	sdelay $0x1  }
0x2b: {  	v3 =	vperm.xlane v3, v2;
	v4 =	vadd.s32 v1, v4;
	_ =	sdelay $0x1  }
0x2c: {  	v3 =	vadd.s32 v1, v3;
	_ =	sdelay $0x1  }
0x2d: {  	s0 =	rddreg [dreg:$0x7]  }
0x2e: {  	[tilespmem:s0], [sflag:$0x1] =	stream.indirect_vreg.gather [hbm4b:s1+s3], $0x80, v4, vm0, $0xb8;
	[tilespmem:$0x10100] =	vst v63  }
0x2f: {  	s7 =	rddreg [dreg:$0x8]  }
0x30: {  	[tilespmem:s7], [sflag:$0x1] =	stream.indirect_vreg.gather [hbm4b:s1+s3], $0x80, v3, vm0, $0xb8;
	[tilespmem:$0x10100] =	vst v63  }
0x31: {  	v3 =	vld [tilespmem:$0x20];
	_ =	sdelay $0x4  }
0x32: {  	v50 =	vshll.u32 v3, $0x1  }
0x33: {  	v3 =	vand.u32 $0x7, v3;
	v4 =	vand.u32 $0xFFFFFFF0, v50  }
0x34: {  	v3 =	vor.u32 v3, v4  }
0x35: {  	v4 =	vperm.xlane v3, v0;
	_ =	sdelay $0x1  }
0x36: {  	v3 =	vperm.xlane v3, v2;
	v4 =	vadd.s32 v1, v4;
	_ =	sdelay $0x1  }
0x37: {  	v3 =	vadd.s32 v1, v3;
	_ =	sdelay $0x1  }
0x38: {  	s0 =	rddreg [dreg:$0x9]  }
0x39: {  	[tilespmem:s0], [sflag:$0x1] =	stream.indirect_vreg.gather [hbm4b:s1+s3], $0x80, v4, vm0, $0xb8;
	[tilespmem:$0x10100] =	vst v63  }
0x3a: {  	s7 =	rddreg [dreg:$0xa]  }
0x3b: {  	[tilespmem:s7], [sflag:$0x1] =	stream.indirect_vreg.gather [hbm4b:s1+s3], $0x80, v3, vm0, $0xb8;
	[tilespmem:$0x10100] =	vst v63  }
0x3c: {  	v3 =	vld [tilespmem:$0x30];
	_ =	sdelay $0x4  }
0x3d: {  	v51 =	vshll.u32 v3, $0x1  }
0x3e: {  	v3 =	vand.u32 $0x7, v3;
	v4 =	vand.u32 $0xFFFFFFF0, v51  }
0x3f: {  	v3 =	vor.u32 v3, v4  }
0x40: {  	v4 =	vperm.xlane v3, v0;
	_ =	sdelay $0x1  }
0x41: {  	v3 =	vperm.xlane v3, v2;
	v4 =	vadd.s32 v1, v4;
	_ =	sdelay $0x1  }
0x42: {  	v3 =	vadd.s32 v1, v3;
	_ =	sdelay $0x1  }
0x43: {  	s0 =	rddreg [dreg:$0xb]  }
0x44: {  	[tilespmem:s0], [sflag:$0x1] =	stream.indirect_vreg.gather [hbm4b:s1+s3], $0x80, v4, vm0, $0xb8;
	[tilespmem:$0x10100] =	vst v63  }
0x45: {  	s7 =	rddreg [dreg:$0xc]  }
0x46: {  	[tilespmem:s7], [sflag:$0x1] =	stream.indirect_vreg.gather [hbm4b:s1+s3], $0x80, v3, vm0, $0xb8;
	[tilespmem:$0x10100] =	vst v63  }
0x47: {  	v3 =	vld [tilespmem:$0x40];
	_ =	sdelay $0x4  }
0x48: {  	v52 =	vshll.u32 v3, $0x1  }
0x49: {  	v3 =	vand.u32 $0x7, v3;
	v4 =	vand.u32 $0xFFFFFFF0, v52  }
0x4a: {  	v3 =	vor.u32 v3, v4  }
0x4b: {  	v4 =	vperm.xlane v3, v0;
	_ =	sdelay $0x1  }
0x4c: {  	v3 =	vperm.xlane v3, v2;
	v4 =	vadd.s32 v1, v4;
	_ =	sdelay $0x1  }
0x4d: {  	v3 =	vadd.s32 v1, v3;
	_ =	sdelay $0x1  }
0x4e: {  	s7 =	simm.s32 $0x4100  }
0x4f: {  	[tilespmem:s7], [sflag:$0x1] =	stream.indirect_vreg.gather [hbm4b:s1+s3], $0x80, v4, vm0, $0xb8;
	[tilespmem:$0x10100] =	vst v63  }
0x50: {  	_ = 	snop  }
0x51: {  	[tilespmem:s8], [sflag:$0x1] =	stream.indirect_vreg.gather [hbm4b:s1+s3], $0x80, v3, vm0, $0xb8;
	[tilespmem:$0x10100] =	vst v63  }
0x52: {  	v3 =	vld [tilespmem:$0x50];
	_ =	sdelay $0x4  }
0x53: {  	v53 =	vshll.u32 v3, $0x1  }
0x54: {  	v3 =	vand.u32 $0x7, v3;
	v4 =	vand.u32 $0xFFFFFFF0, v53  }
0x55: {  	v3 =	vor.u32 v3, v4  }
0x56: {  	v4 =	vperm.xlane v3, v0;
	_ =	sdelay $0x1  }
0x57: {  	v3 =	vperm.xlane v3, v2;
	v4 =	vadd.s32 v1, v4;
	_ =	sdelay $0x1  }
0x58: {  	v3 =	vadd.s32 v1, v3;
	_ =	sdelay $0x2  }
0x59: {  	[tilespmem:s9], [sflag:$0x1] =	stream.indirect_vreg.gather [hbm4b:s1+s3], $0x80, v4, vm0, $0xb8;
	[tilespmem:$0x10100] =	vst v63  }
0x5a: {  	_ = 	snop  }
0x5b: {  	[tilespmem:s10], [sflag:$0x1] =	stream.indirect_vreg.gather [hbm4b:s1+s3], $0x80, v3, vm0, $0xb8;
	[tilespmem:$0x10100] =	vst v63  }
0x5c: {  	v3 =	vld [tilespmem:$0x60];
	_ =	sdelay $0x4  }
0x5d: {  	v54 =	vshll.u32 v3, $0x1  }
0x5e: {  	v3 =	vand.u32 $0x7, v3;
	v4 =	vand.u32 $0xFFFFFFF0, v54  }
0x5f: {  	v3 =	vor.u32 v3, v4  }
0x60: {  	v4 =	vperm.xlane v3, v0;
	_ =	sdelay $0x1  }
0x61: {  	v3 =	vperm.xlane v3, v2;
	v4 =	vadd.s32 v1, v4;
	_ =	sdelay $0x1  }
0x62: {  	v3 =	vadd.s32 v1, v3;
	_ =	sdelay $0x2  }
0x63: {  	[tilespmem:s11], [sflag:$0x1] =	stream.indirect_vreg.gather [hbm4b:s1+s3], $0x80, v4, vm0, $0xb8;
	[tilespmem:$0x10100] =	vst v63  }
0x64: {  	_ = 	snop  }
0x65: {  	[tilespmem:s12], [sflag:$0x1] =	stream.indirect_vreg.gather [hbm4b:s1+s3], $0x80, v3, vm0, $0xb8;
	[tilespmem:$0x10100] =	vst v63  }
0x66: {  	v3 =	vld [tilespmem:$0x70];
	_ =	sdelay $0x4  }
0x67: {  	v55 =	vshll.u32 v3, $0x1  }
0x68: {  	v3 =	vand.u32 $0x7, v3;
	v4 =	vand.u32 $0xFFFFFFF0, v55  }
0x69: {  	v3 =	vor.u32 v3, v4  }
0x6a: {  	v4 =	vperm.xlane v3, v0;
	_ =	sdelay $0x1  }
0x6b: {  	v3 =	vperm.xlane v3, v2;
	v4 =	vadd.s32 v1, v4;
	_ =	sdelay $0x1  }
0x6c: {  	v3 =	vadd.s32 v1, v3;
	_ =	sdelay $0x2  }
0x6d: {  	[tilespmem:s13], [sflag:$0x1] =	stream.indirect_vreg.gather [hbm4b:s1+s3], $0x80, v4, vm0, $0xb8;
	[tilespmem:$0x10100] =	vst v63  }
0x6e: {  	_ = 	snop  }
0x6f: {  	[tilespmem:s14], [sflag:$0x1] =	stream.indirect_vreg.gather [hbm4b:s1+s3], $0x80, v3, vm0, $0xb8;
	[tilespmem:$0x10100] =	vst v63  }
0x70: {  	v3 =	vld [tilespmem:$0x80];
	_ =	sdelay $0x4  }
0x71: {  	v56 =	vshll.u32 v3, $0x1  }
0x72: {  	v3 =	vand.u32 $0x7, v3;
	v4 =	vand.u32 $0xFFFFFFF0, v56  }
0x73: {  	v3 =	vor.u32 v3, v4  }
0x74: {  	v4 =	vperm.xlane v3, v0;
	_ =	sdelay $0x1  }
0x75: {  	v3 =	vperm.xlane v3, v2;
	v4 =	vadd.s32 v1, v4;
	_ =	sdelay $0x1  }
0x76: {  	v3 =	vadd.s32 v1, v3;
	_ =	sdelay $0x2  }
0x77: {  	[tilespmem:s15], [sflag:$0x1] =	stream.indirect_vreg.gather [hbm4b:s1+s3], $0x80, v4, vm0, $0xb8;
	[tilespmem:$0x10100] =	vst v63  }
0x78: {  	_ = 	snop  }
0x79: {  	[tilespmem:s16], [sflag:$0x1] =	stream.indirect_vreg.gather [hbm4b:s1+s3], $0x80, v3, vm0, $0xb8;
	[tilespmem:$0x10100] =	vst v63  }
0x7a: {  	v3 =	vld [tilespmem:$0x90];
	_ =	sdelay $0x4  }
0x7b: {  	v57 =	vshll.u32 v3, $0x1  }
0x7c: {  	v3 =	vand.u32 $0x7, v3;
	v4 =	vand.u32 $0xFFFFFFF0, v57  }
0x7d: {  	v3 =	vor.u32 v3, v4  }
0x7e: {  	v4 =	vperm.xlane v3, v0;
	_ =	sdelay $0x1  }
0x7f: {  	v3 =	vperm.xlane v3, v2;
	v4 =	vadd.s32 v1, v4;
	_ =	sdelay $0x1  }
0x80: {  	v3 =	vadd.s32 v1, v3;
	_ =	sdelay $0x2  }
0x81: {  	[tilespmem:s17], [sflag:$0x1] =	stream.indirect_vreg.gather [hbm4b:s1+s3], $0x80, v4, vm0, $0xb8;
	[tilespmem:$0x10100] =	vst v63  }
0x82: {  	_ = 	snop  }
0x83: {  	[tilespmem:s18], [sflag:$0x1] =	stream.indirect_vreg.gather [hbm4b:s1+s3], $0x80, v3, vm0, $0xb8;
	[tilespmem:$0x10100] =	vst v63  }
0x84: {  	v3 =	vld [tilespmem:$0xA0];
	_ =	sdelay $0x4  }
0x85: {  	v58 =	vshll.u32 v3, $0x1  }
0x86: {  	v3 =	vand.u32 $0x7, v3;
	v4 =	vand.u32 $0xFFFFFFF0, v58  }
0x87: {  	v3 =	vor.u32 v3, v4  }
0x88: {  	v4 =	vperm.xlane v3, v0;
	_ =	sdelay $0x1  }
0x89: {  	v3 =	vperm.xlane v3, v2;
	v4 =	vadd.s32 v1, v4;
	_ =	sdelay $0x1  }
0x8a: {  	v3 =	vadd.s32 v1, v3;
	_ =	sdelay $0x2  }
0x8b: {  	[tilespmem:s19], [sflag:$0x1] =	stream.indirect_vreg.gather [hbm4b:s1+s3], $0x80, v4, vm0, $0xb8;
	[tilespmem:$0x10100] =	vst v63  }
0x8c: {  	_ = 	snop  }
0x8d: {  	[tilespmem:s20], [sflag:$0x1] =	stream.indirect_vreg.gather [hbm4b:s1+s3], $0x80, v3, vm0, $0xb8;
	[tilespmem:$0x10100] =	vst v63  }
0x8e: {  	v3 =	vld [tilespmem:$0xB0];
	_ =	sdelay $0x4  }
0x8f: {  	v59 =	vshll.u32 v3, $0x1  }
0x90: {  	v3 =	vand.u32 $0x7, v3;
	v4 =	vand.u32 $0xFFFFFFF0, v59  }
0x91: {  	v3 =	vor.u32 v3, v4  }
0x92: {  	v4 =	vperm.xlane v3, v0;
	_ =	sdelay $0x1  }
0x93: {  	v3 =	vperm.xlane v3, v2;
	v4 =	vadd.s32 v1, v4;
	_ =	sdelay $0x1  }
0x94: {  	v3 =	vadd.s32 v1, v3;
	_ =	sdelay $0x2  }
0x95: {  	[tilespmem:s21], [sflag:$0x1] =	stream.indirect_vreg.gather [hbm4b:s1+s3], $0x80, v4, vm0, $0xb8;
	[tilespmem:$0x10100] =	vst v63  }
0x96: {  	_ = 	snop  }
0x97: {  	[tilespmem:s22], [sflag:$0x1] =	stream.indirect_vreg.gather [hbm4b:s1+s3], $0x80, v3, vm0, $0xb8;
	[tilespmem:$0x10100] =	vst v63  }
0x98: {  	v3 =	vld [tilespmem:$0xC0];
	_ =	sdelay $0x4  }
0x99: {  	v60 =	vshll.u32 v3, $0x1  }
0x9a: {  	v3 =	vand.u32 $0x7, v3;
	v4 =	vand.u32 $0xFFFFFFF0, v60  }
0x9b: {  	v3 =	vor.u32 v3, v4  }
0x9c: {  	v4 =	vperm.xlane v3, v0;
	_ =	sdelay $0x1  }
0x9d: {  	v3 =	vperm.xlane v3, v2;
	v4 =	vadd.s32 v1, v4;
	_ =	sdelay $0x1  }
0x9e: {  	v3 =	vadd.s32 v1, v3;
	_ =	sdelay $0x2  }
0x9f: {  	[tilespmem:s23], [sflag:$0x1] =	stream.indirect_vreg.gather [hbm4b:s1+s3], $0x80, v4, vm0, $0xb8;
	[tilespmem:$0x10100] =	vst v63  }
0xa0: {  	_ = 	snop  }
0xa1: {  	[tilespmem:s24], [sflag:$0x1] =	stream.indirect_vreg.gather [hbm4b:s1+s3], $0x80, v3, vm0, $0xb8;
	[tilespmem:$0x10100] =	vst v63  }
0xa2: {  	v3 =	vld [tilespmem:$0xD0];
	_ =	sdelay $0x4  }
0xa3: {  	v61 =	vshll.u32 v3, $0x1  }
0xa4: {  	v3 =	vand.u32 $0x7, v3;
	v4 =	vand.u32 $0xFFFFFFF0, v61  }
0xa5: {  	v3 =	vor.u32 v3, v4  }
0xa6: {  	v4 =	vperm.xlane v3, v0;
	_ =	sdelay $0x1  }
0xa7: {  	v3 =	vperm.xlane v3, v2;
	v4 =	vadd.s32 v1, v4;
	_ =	sdelay $0x1  }
0xa8: {  	v3 =	vadd.s32 v1, v3;
	_ =	sdelay $0x2  }
0xa9: {  	[tilespmem:s25], [sflag:$0x1] =	stream.indirect_vreg.gather [hbm4b:s1+s3], $0x80, v4, vm0, $0xb8;
	[tilespmem:$0x10100] =	vst v63  }
0xaa: {  	_ = 	snop  }
0xab: {  	[tilespmem:s26], [sflag:$0x1] =	stream.indirect_vreg.gather [hbm4b:s1+s3], $0x80, v3, vm0, $0xb8;
	[tilespmem:$0x10100] =	vst v63  }
0xac: {  	v3 =	vld [tilespmem:$0xE0];
	_ =	sdelay $0x4  }
0xad: {  	v62 =	vshll.u32 v3, $0x1  }
0xae: {  	v3 =	vand.u32 $0x7, v3;
	v4 =	vand.u32 $0xFFFFFFF0, v62  }
0xaf: {  	v3 =	vor.u32 v3, v4  }
0xb0: {  	v4 =	vperm.xlane v3, v0;
	_ =	sdelay $0x1  }
0xb1: {  	v3 =	vperm.xlane v3, v2;
	v4 =	vadd.s32 v1, v4;
	_ =	sdelay $0x1  }
0xb2: {  	v3 =	vadd.s32 v1, v3;
	_ =	sdelay $0x2  }
0xb3: {  	[tilespmem:s28], [sflag:$0x1] =	stream.indirect_vreg.gather [hbm4b:s1+s3], $0x80, v4, vm0, $0xb8;
	[tilespmem:$0x10100] =	vst v63  }
0xb4: {  	_ = 	snop  }
0xb5: {  	[tilespmem:s29], [sflag:$0x1] =	stream.indirect_vreg.gather [hbm4b:s1+s3], $0x80, v3, vm0, $0xb8;
	[tilespmem:$0x10100] =	vst v63  }
0xb6: {  	v3 =	vld [tilespmem:$0xF0];
	_ =	sdelay $0x4  }
0xb7: {  	v63 =	vshll.u32 v3, $0x1  }
0xb8: {  	v3 =	vand.u32 $0x7, v3;
	v4 =	vand.u32 $0xFFFFFFF0, v63  }
0xb9: {  	v3 =	vor.u32 v3, v4  }
0xba: {  	v4 =	vperm.xlane v3, v0;
	_ =	sdelay $0x1  }
0xbb: {  	v3 =	vperm.xlane v3, v2;
	v4 =	vadd.s32 v1, v4;
	_ =	sdelay $0x1  }
0xbc: {  	v3 =	vadd.s32 v1, v3;
	_ =	sdelay $0x2  }
0xbd: {  	[tilespmem:s30], [sflag:$0x1] =	stream.indirect_vreg.gather [hbm4b:s1+s3], $0x80, v4, vm0, $0xb8;
	[tilespmem:$0x10100] =	vst v63  }
0xbe: {  	_ = 	snop  }
0xbf: {  	[tilespmem:s31], [sflag:$0x1] =	stream.indirect_vreg.gather [hbm4b:s1+s3], $0x80, v3, vm0, $0xb8;
	[tilespmem:$0x10100] =	vst v63  }
0xc0: {  	_ =	swait.ge [sflag:s2], $0x8000  }
0xc1: {  	[sflag:s2] =	ssyncset.done $0x0  }
0xc2: {  	[sflag:s2] =	ssyncadd.s32 $0xFFFF8000  }
0xc3: {  	_ =	swait.ge [sflag:s2], $0x8000  }
0xc4: {  	p0 =	sne.s32 s4, $0x1;
	[sflag:s2] =	ssyncset.done $0x0  }
.Ltmp0:
0xc5: {  	s7 =	rddreg [dreg:$0x5];
	[sflag:s2] =	ssyncadd.s32 $0xFFFF8000;
	(pc) =	sbr.rel @p0 .LBB2_1-.Ltmp0, $4  }
0xc6: {  	[hbm4b:s7+s3] =	stream.linear.scatter [tilespmem:s6], [sflag:$0x2], $0x10000, $0x38;
	[tilespmem:$0x10100] =	vst v63  }
0xc7: {  	_ =	swait.ge [sflag:s5], $0x10000  }
0xc8: {  	[sflag:s5] =	ssyncset.done $0x0  }
0xc9: {  	s4 =	sadd.s32 $0xFFFFFFFF, s4;
	[sflag:s5] =	ssyncadd.s32 $0xFFFF0000  }
0xca: {  	_ =	sfence.sel $0x180000  }
0xcb: {  	[bflag:$0x0] =	sbarrier.arrive $0xFFFF  }
0xcc: {  	_ =	strace $0x90000047  }
0xcd: {  	s0 =	stileid.u32;
	[bflag:$0x2] =	sbarrier.arrive $0xFFFF  }
0xce: {  	p0 =	sne.s32 s0, $0x0;
	s0 =	rddreg [dreg:$0x3]  }
0xcf: {  	s0 =	sadd.s32 @!p0 $0x100000, s0  }
0xd0: {  	[sflag:s0] =	ssyncadd.tile.s32 @!p0 $0x1;
	_ =	shalt  }
.Lfunc_end2:
_tile_overlayer_lowered:
.L_overlay_start_2:
0xd1: {  	(tag) =	ssettag $0x2  }
0xd2: {  	s0 =	rddreg [dreg:$0x0];
	s2 =	stileid.u32  }
0xd3: {  	s1 =	rddreg [dreg:$0x1];
	p0 =	sne.s32 s2, $0x0  }
0xd4: {  	s3 =	rddreg [dreg:$0x2];
	[bflag:$0x3] =	sbarrier.arrive $0xFFFF;
	s2 =	simm.s32 @!p0 $0x1C02  }
0xd5: {  	[timem:s3], [sflag:s2] =	dma.local @!p0 [hbm:s0], s1  }
0xd6: {  	s0 =	simm.s32 @!p0 $0x2  }
0xd7: {  	_ =	swait.ge @!p0 [sflag:s0], s1  }
0xd8: {  	s1 =	ssub.s32 @!p0 $0x0, s1;
	[sflag:s0] =	ssyncset.done @!p0 $0x0  }
0xd9: {  	[sflag:s0] =	ssyncadd.s32 @!p0 s1  }
0xda: {  	[bflag:$0x3] =	sbarrier.arrive $0xFFFF  }
0xdb: {  	_ =	shalt  }

</sc_bundles>
